<compile_context>
chip_gen: v7x
topology: tpu7x:2x2x1
jax: 0.10.2.dev20260603
libtpu: 0.0.44.dev20260713+nightly
codegen_flags: <defaults>
</compile_context>

<pallas_src>
import functools

import jax
import jax.numpy as jnp
from jax import lax
from jax.experimental import pallas as pl
from jax.experimental.pallas import tpu as pltpu
from jax.experimental.pallas import tpu_sc as plsc

_NS = 16
_FB = 128
_UN = 16
_K = 3072


@functools.lru_cache(maxsize=None)
def _build(B, NB, OUTB):
    ET = NB // _NS
    assert ET % (2 * _K) == 0
    NCHUNK = ET // _K
    NPASS = 12
    assert OUTB % NPASS == 0
    W = OUTB // NPASS
    assert W % (_NS * 16) == 0
    PERT = W // _NS
    ZB = 3584
    assert PERT % ZB == 0 and ZB % 16 == 0
    CAP = _K + 2 * _FB

    mesh = plsc.VectorSubcoreMesh(core_axis_name="c", subcore_axis_name="s")

    @functools.partial(
        pl.kernel,
        out_type=jax.ShapeDtypeStruct((B * OUTB,), jnp.float32),
        mesh=mesh,
        compiler_params=pltpu.CompilerParams(needs_layout_passes=False),
        scratch_types=[
            pltpu.VMEM((_K,), jnp.int32),
            pltpu.VMEM((_K,), jnp.int32),
            pltpu.VMEM((_K,), jnp.float32),
            pltpu.VMEM((_K,), jnp.float32),
            pltpu.VMEM((CAP + 16,), jnp.int32),
            pltpu.VMEM((CAP + 16,), jnp.int32),
            pltpu.VMEM((CAP + 16,), jnp.float32),
            pltpu.VMEM((CAP + 16,), jnp.float32),
            pltpu.VMEM((ZB,), jnp.float32),
            pltpu.VMEM_SHARED((W,), jnp.float32),
            pltpu.SemaphoreType.DMA,
            pltpu.SemaphoreType.DMA,
            pltpu.SemaphoreType.DMA,
            pltpu.SemaphoreType.DMA,
        ],
    )
    def scatter_add(val_hbm, idx_hbm, out_hbm, idx0, idx1, val0, val1,
                    ci0, ci1, cv0, cv1, zbuf, win, sem0, sem1, fsem0, fsem1):
        c = lax.axis_index("c")
        s = lax.axis_index("s")
        base_elem = c * NB + s * ET
        ibufs = (idx0, idx1)
        vbufs = (val0, val1)
        cibufs = (ci0, ci1)
        cvbufs = (cv0, cv1)
        sems = (sem0, sem1)
        fsems = (fsem0, fsem1)
        zeros_f = jnp.zeros((16,), jnp.float32)
        zeros_i = jnp.zeros((16,), jnp.int32)
        wlim = jnp.uint32(W)

        def zb_body(i, _):
            zbuf[pl.ds(i * 16, 16)] = zeros_f
            return 0
        lax.fori_loop(0, ZB // 16, zb_body, 0)

        for b in range(2):
            off = base_elem + b * _K
            pltpu.async_copy(idx_hbm.at[pl.ds(off, _K)], ibufs[b], sems[b])
            pltpu.async_copy(val_hbm.at[pl.ds(off, _K)], vbufs[b], sems[b])

        def pass_body(p, _):
            base = p * W

            def zw_body(z, _):
                pltpu.sync_copy(zbuf, win.at[pl.ds(s * PERT + z * ZB, ZB)])
                return 0
            lax.fori_loop(0, PERT // ZB, zw_body, 0)
            plsc.subcore_barrier()

            def pair_body(j2, carry):
                fill, out_prev = carry
                for b in range(2):
                    cidx, cval = cibufs[b], cvbufs[b]
                    j = j2 * 2 + b
                    off = base_elem + j * _K
                    pltpu.make_async_copy(
                        idx_hbm.at[pl.ds(off, _K)], ibufs[b], sems[b]).wait()
                    pltpu.make_async_copy(
                        val_hbm.at[pl.ds(off, _K)], vbufs[b], sems[b]).wait()

                    def vec_body(i, fill):
                        dat = []
                        for q in range(_UN):
                            o = (i * _UN + q) * 16
                            iv = ibufs[b][pl.ds(o, 16)]
                            vv = vbufs[b][pl.ds(o, 16)]
                            t = iv - base
                            tu = lax.bitcast_convert_type(t, jnp.uint32)
                            m = tu < wlim
                            cnt = plsc.all_reduce_population_count(m)[0]
                            dat.append((m, t, vv, cnt))
                        for q in range(_UN):
                            m, t, vv, cnt = dat[q]
                            plsc.store_compressed(
                                cidx.at[pl.ds(fill, 16)], t, mask=m)
                            plsc.store_compressed(
                                cval.at[pl.ds(fill, 16)], vv, mask=m)
                            fill = fill + cnt
                        return fill
                    fill = lax.fori_loop(0, _K // (16 * _UN), vec_body, fill)

                    jn = j + 2
                    jn = jnp.where(jn >= NCHUNK, jn - NCHUNK, jn)
                    offn = base_elem + jn * _K
                    pltpu.async_copy(
                        idx_hbm.at[pl.ds(offn, _K)], ibufs[b], sems[b])
                    pltpu.async_copy(
                        val_hbm.at[pl.ds(offn, _K)], vbufs[b], sems[b])

                    nblk = fill // _FB

                    def fl_body(k, _):
                        pltpu.async_copy(
                            cval.at[pl.ds(k * _FB, _FB)],
                            win.at[cidx.at[pl.ds(k * _FB, _FB)]],
                            fsems[b], add=True)
                        return 0
                    lax.fori_loop(0, nblk, fl_body, 0)

                    def dr_body(k, _):
                        pltpu.make_async_copy(
                            cvbufs[1 - b].at[pl.ds(0, _FB)],
                            win.at[cibufs[1 - b].at[pl.ds(0, _FB)]],
                            fsems[1 - b]).wait()
                        return 0
                    lax.fori_loop(0, out_prev, dr_body, 0)

                    rem = fill - nblk * _FB
                    srcoff = nblk * _FB

                    def mv_body(i, _):
                        cibufs[1 - b][pl.ds(i * 16, 16)] = (
                            cidx[pl.ds(srcoff + i * 16, 16)])
                        cvbufs[1 - b][pl.ds(i * 16, 16)] = (
                            cval[pl.ds(srcoff + i * 16, 16)])
                        return 0
                    lax.fori_loop(0, (rem + 15) // 16, mv_body, 0)
                    fill = rem
                    out_prev = nblk
                return fill, out_prev
            fill, out_prev = lax.fori_loop(
                0, NCHUNK // 2, pair_body, (jnp.int32(0), jnp.int32(0)))

            def pad_body(i, _):
                ci0[pl.ds(fill + i * 16, 16)] = zeros_i
                cv0[pl.ds(fill + i * 16, 16)] = zeros_f
                return 0
            lax.fori_loop(0, _FB // 16, pad_body, 0)
            nblk2 = (fill + _FB - 1) // _FB

            def fl2_body(k, _):
                pltpu.sync_copy(cv0.at[pl.ds(k * _FB, _FB)],
                                win.at[ci0.at[pl.ds(k * _FB, _FB)]],
                                add=True)
                return 0
            lax.fori_loop(0, nblk2, fl2_body, 0)

            def dr2_body(k, _):
                pltpu.make_async_copy(
                    cv1.at[pl.ds(0, _FB)],
                    win.at[ci1.at[pl.ds(0, _FB)]], fsem1).wait()
                return 0
            lax.fori_loop(0, out_prev, dr2_body, 0)
            plsc.subcore_barrier()

            pltpu.sync_copy(
                win.at[pl.ds(s * PERT, PERT)],
                out_hbm.at[pl.ds(c * OUTB + base + s * PERT, PERT)])
            plsc.subcore_barrier()
            return 0
        lax.fori_loop(0, NPASS, pass_body, 0)

        for b in range(2):
            off = base_elem + b * _K
            pltpu.make_async_copy(
                idx_hbm.at[pl.ds(off, _K)], ibufs[b], sems[b]).wait()
            pltpu.make_async_copy(
                val_hbm.at[pl.ds(off, _K)], vbufs[b], sems[b]).wait()

    return scatter_add


def kernel(inputs, indices, output_shape):
    Bs, Hp, Wp, Cs = inputs.shape
    H, W, C = Hp * 2, Wp * 2, Cs
    NB = Hp * Wp * Cs
    OUTB = H * W * C
    val_flat = inputs.reshape(-1)
    idx_flat = indices.reshape(-1).astype(jnp.int32)
    out = _build(Bs, NB, OUTB)(val_flat, idx_flat)
    return out.reshape(Bs, H, W, C)

# --- scband reference (transcript-rebuilt; emitter-appended) ---
"""Pipeline reference for scband-max-unpooling2-d-51917564674210 (READ-ONLY COPY).

The authoritative reference and input builder live on the scoring server;
editing this copy changes nothing except your own understanding.
"""

import jax, jax.numpy as jnp
import numpy as np


def setup_inputs(seed: int = 0) -> dict:
    key = jax.random.key(seed)
    k1, k2 = jax.random.split(key)
    B, H, W, C = 2, 224, 224, 384
    ph, pw = 2, 2
    inputs = jax.random.normal(k1, (B, H // ph, W // pw, C), dtype=jnp.float32)
    # max-pool argmax indices live in the per-batch flattened [H*W*C) space
    indices = jax.random.randint(k2, (B, H // ph, W // pw, C), 0, H * W * C, dtype=jnp.int32)
    output_shape = np.array([B, H, W, C], dtype=np.int32)
    return {"inputs": inputs, "indices": indices, "output_shape": output_shape}


def reference(inputs, indices, output_shape):
    Bs, Hp, Wp, Cs = inputs.shape
    ph, pw = 2, 2
    B, H, W, C = Bs, Hp * ph, Wp * pw, Cs
    flat_inputs = inputs.reshape(-1)
    flat_indices = indices.reshape(-1).astype(jnp.int32)
    total_elements = B * H * W * C
    per_batch = flat_indices.shape[0] // B
    batch_offset = jnp.repeat(jnp.arange(B, dtype=jnp.int32) * (H * W * C), per_batch)
    flat_indices = flat_indices + batch_offset
    output = jnp.zeros((total_elements,), dtype=flat_inputs.dtype)
    output = output.at[flat_indices].add(flat_inputs)
    output = output + jnp.zeros((), dtype=output.dtype) * jnp.asarray(output_shape)[0].astype(output.dtype)
    return output.reshape(B, H, W, C)

if __name__ == "__main__":
    import jax
    _d = setup_inputs()
    print(jax.jit(kernel)(*tuple(_d.values())))

</pallas_src>

<mosaic_0001>
#map = affine_map<(d0, d1) -> (0)>
module attributes {stable_mosaic.version = 14 : i64} {
  func.func @scatter_add(%arg0: i32, %arg1: i32, %arg2: memref<9633792xf32, #tpu.memory_space<hbm>>, %arg3: memref<9633792xi32, #tpu.memory_space<hbm>>, %arg4: memref<38535168xf32, #tpu.memory_space<hbm>>, %arg5: memref<3072xi32, #tpu.memory_space<vmem>>, %arg6: memref<3072xi32, #tpu.memory_space<vmem>>, %arg7: memref<3072xf32, #tpu.memory_space<vmem>>, %arg8: memref<3072xf32, #tpu.memory_space<vmem>>, %arg9: memref<3344xi32, #tpu.memory_space<vmem>>, %arg10: memref<3344xi32, #tpu.memory_space<vmem>>, %arg11: memref<3344xf32, #tpu.memory_space<vmem>>, %arg12: memref<3344xf32, #tpu.memory_space<vmem>>, %arg13: memref<3584xf32, #tpu.memory_space<vmem>>, %arg14: memref<1605632xf32, #tpu.memory_space<vmem_shared>>, %arg15: memref<!tpu.dma_semaphore, #tpu.memory_space<semaphore_mem>>, %arg16: memref<!tpu.dma_semaphore, #tpu.memory_space<semaphore_mem>>, %arg17: memref<!tpu.dma_semaphore, #tpu.memory_space<semaphore_mem>>, %arg18: memref<!tpu.dma_semaphore, #tpu.memory_space<semaphore_mem>>) attributes {dimension_semantics = [#tpu.dimension_semantics<core_parallel>, #tpu.dimension_semantics<subcore_parallel>], iteration_bounds = array<i64: 2, 16>, scalar_prefetch = 0 : i64, scratch_operands = 14 : i64, tpu.core_type = #tpu.core_type<sc_vector_subcore>, window_params = [{transform_indices = #map}, {transform_indices = #map}, {transform_indices = #map}]} {
    %mul3A = arith.constant 4816896 : i32
    %mul3A_0 = arith.muli %arg0, %mul3A : i32
    %mul3A_1 = arith.constant 301056 : i32
    %mul3A_2 = arith.muli %arg1, %mul3A_1 : i32
    %add3A = arith.addi %mul3A_0, %mul3A_2 : i32
    %broadcast_in_dim3A = arith.constant 0.000000e+00 : f32
    %broadcast_in_dim3A_3 = vector.broadcast %broadcast_in_dim3A : f32 to vector<16xf32>
    %broadcast_in_dim3A_4 = arith.constant 0 : i32
    %broadcast_in_dim3A_5 = vector.broadcast %broadcast_in_dim3A_4 : i32 to vector<16xi32>
    %scan3A = arith.constant 0 : i32
    %scan3A_6 = arith.constant 0 : i32
    %scan3A_7 = arith.constant 224 : i32
    %scan3A_8 = arith.addi %scan3A_6, %scan3A_7 : i32
    %scan3A_9 = arith.constant 1 : i32
    %scan3A_10 = scf.for %scan3A_42 = %scan3A_6 to %scan3A_8 step %scan3A_9 iter_args(%scan3A_43 = %scan3A) -> (i32)  : i32 {
      %mul3A_44 = arith.constant 16 : i32
      %mul3A_45 = arith.muli %scan3A_42, %mul3A_44 : i32
      %swap3A = arith.index_cast %mul3A_45 : i32 to index
      %swap3A_46 = tpu.vector_load %arg13[%swap3A] {strides = array<i32>} : memref<3584xf32, #tpu.memory_space<vmem>>, vector<16xf32>,
      tpu.vector_store %arg13[%swap3A], %broadcast_in_dim3A_3 {strides = array<i32>} : memref<3584xf32, #tpu.memory_space<vmem>>, vector<16xf32>,
      %scan3A_47 = arith.constant 0 : i32
      scf.yield %scan3A_47 : i32
    }
    %scan3A_11 = arith.constant 224 : i32
    %add3A_12 = arith.constant 0 : i32
    %add3A_13 = arith.addi %add3A, %add3A_12 : i32
    %dma_start3A = tpu.memref_slice %arg3[%add3A_13] : memref<9633792xi32, #tpu.memory_space<hbm>> -> memref<3072xi32, #tpu.memory_space<hbm>>
    %dma_start3A_14 = tpu.memref_slice %arg3[%add3A_13] : memref<9633792xi32, #tpu.memory_space<hbm>> -> memref<3072xi32, #tpu.memory_space<hbm>>
    tpu.enqueue_dma source(%dma_start3A_14 : memref<3072xi32, #tpu.memory_space<hbm>>) target(%arg5 : memref<3072xi32, #tpu.memory_space<vmem>>) target_semaphore(%arg15 : memref<!tpu.dma_semaphore, #tpu.memory_space<semaphore_mem>>)
    %dma_start3A_15 = tpu.memref_slice %arg2[%add3A_13] : memref<9633792xf32, #tpu.memory_space<hbm>> -> memref<3072xf32, #tpu.memory_space<hbm>>
    %dma_start3A_16 = tpu.memref_slice %arg2[%add3A_13] : memref<9633792xf32, #tpu.memory_space<hbm>> -> memref<3072xf32, #tpu.memory_space<hbm>>
    tpu.enqueue_dma source(%dma_start3A_16 : memref<3072xf32, #tpu.memory_space<hbm>>) target(%arg7 : memref<3072xf32, #tpu.memory_space<vmem>>) target_semaphore(%arg15 : memref<!tpu.dma_semaphore, #tpu.memory_space<semaphore_mem>>)
    %add3A_17 = arith.constant 3072 : i32
    %add3A_18 = arith.addi %add3A, %add3A_17 : i32
    %dma_start3A_19 = tpu.memref_slice %arg3[%add3A_18] : memref<9633792xi32, #tpu.memory_space<hbm>> -> memref<3072xi32, #tpu.memory_space<hbm>>
    %dma_start3A_20 = tpu.memref_slice %arg3[%add3A_18] : memref<9633792xi32, #tpu.memory_space<hbm>> -> memref<3072xi32, #tpu.memory_space<hbm>>
    tpu.enqueue_dma source(%dma_start3A_20 : memref<3072xi32, #tpu.memory_space<hbm>>) target(%arg6 : memref<3072xi32, #tpu.memory_space<vmem>>) target_semaphore(%arg16 : memref<!tpu.dma_semaphore, #tpu.memory_space<semaphore_mem>>)
    %dma_start3A_21 = tpu.memref_slice %arg2[%add3A_18] : memref<9633792xf32, #tpu.memory_space<hbm>> -> memref<3072xf32, #tpu.memory_space<hbm>>
    %dma_start3A_22 = tpu.memref_slice %arg2[%add3A_18] : memref<9633792xf32, #tpu.memory_space<hbm>> -> memref<3072xf32, #tpu.memory_space<hbm>>
    tpu.enqueue_dma source(%dma_start3A_22 : memref<3072xf32, #tpu.memory_space<hbm>>) target(%arg8 : memref<3072xf32, #tpu.memory_space<vmem>>) target_semaphore(%arg16 : memref<!tpu.dma_semaphore, #tpu.memory_space<semaphore_mem>>)
    %scan3A_23 = arith.constant 1605632 : i32
    %scan3A_24 = arith.constant 0 : i32
    %scan3A_25 = arith.constant 0 : i32
    %scan3A_26 = arith.constant 12 : i32
    %scan3A_27 = arith.addi %scan3A_25, %scan3A_26 : i32
    %scan3A_28 = arith.constant 1 : i32
    %scan3A_29 = scf.for %scan3A_42 = %scan3A_25 to %scan3A_27 step %scan3A_28 iter_args(%scan3A_43 = %scan3A_24) -> (i32)  : i32 {
      %mul3A_44 = arith.constant 1605632 : i32
      %mul3A_45 = arith.muli %scan3A_42, %mul3A_44 : i32
      %scan3A_46 = arith.constant 0 : i32
      %scan3A_47 = arith.constant 0 : i32
      %scan3A_48 = arith.constant 28 : i32
      %scan3A_49 = arith.addi %scan3A_47, %scan3A_48 : i32
      %scan3A_50 = arith.constant 1 : i32
      %scan3A_51 = scf.for %scan3A_122 = %scan3A_47 to %scan3A_49 step %scan3A_50 iter_args(%scan3A_123 = %scan3A_46) -> (i32)  : i32 {
        %mul3A_124 = arith.constant 100352 : i32
        %mul3A_125 = arith.muli %arg1, %mul3A_124 : i32
        %mul3A_126 = arith.constant 3584 : i32
        %mul3A_127 = arith.muli %scan3A_122, %mul3A_126 : i32
        %add3A_128 = arith.addi %mul3A_125, %mul3A_127 : i32
        "tpu.region"() ({
          %run_scoped3A = tpu.sem_alloc : memref<!tpu.dma_semaphore, #tpu.memory_space<semaphore_mem>>
          %dma_start3A_130 = tpu.memref_slice %arg14[%add3A_128] : memref<1605632xf32, #tpu.memory_space<vmem_shared>> -> memref<3584xf32, #tpu.memory_space<vmem_shared>>
          %dma_start3A_131 = tpu.memref_slice %arg14[%add3A_128] : memref<1605632xf32, #tpu.memory_space<vmem_shared>> -> memref<3584xf32, #tpu.memory_space<vmem_shared>>
          tpu.enqueue_dma source(%arg13 : memref<3584xf32, #tpu.memory_space<vmem>>) target(%dma_start3A_131 : memref<3584xf32, #tpu.memory_space<vmem_shared>>) target_semaphore(%run_scoped3A : memref<!tpu.dma_semaphore, #tpu.memory_space<semaphore_mem>>)
          %dma_wait3A_132 = tpu.memref_slice %arg14[%add3A_128] : memref<1605632xf32, #tpu.memory_space<vmem_shared>> -> memref<3584xf32, #tpu.memory_space<vmem_shared>>
          %dma_wait3A_133 = tpu.memref_slice %arg14[%add3A_128] : memref<1605632xf32, #tpu.memory_space<vmem_shared>> -> memref<3584xf32, #tpu.memory_space<vmem_shared>>
          tpu.wait_dma2 semaphore(%run_scoped3A : memref<!tpu.dma_semaphore, #tpu.memory_space<semaphore_mem>>) src(%arg13 : memref<3584xf32, #tpu.memory_space<vmem>>) dst(%dma_wait3A_133 : memref<3584xf32, #tpu.memory_space<vmem_shared>>)
          tpu.yield
        }) : () -> ()
        %scan3A_129 = arith.constant 0 : i32
        scf.yield %scan3A_129 : i32
      }
      %scan3A_52 = arith.constant 28 : i32
      %barrier3A = arith.constant 0 : index
      tpu.barrier barrier_id(%barrier3A)
      %scan3A_53 = arith.constant 0 : i32
      %scan3A_54 = arith.constant 0 : i32
      %scan3A_55 = arith.constant 0 : i32
      %scan3A_56 = arith.constant 49 : i32
      %scan3A_57 = arith.addi %scan3A_55, %scan3A_56 : i32
      %scan3A_58 = arith.constant 1 : i32
      %scan3A_59:2 = scf.for %scan3A_122 = %scan3A_55 to %scan3A_57 step %scan3A_58 iter_args(%scan3A_123 = %scan3A_53, %scan3A_124 = %scan3A_54) -> (i32, i32)  : i32 {
        %mul3A_125 = arith.constant 2 : i32
        %mul3A_126 = arith.muli %scan3A_122, %mul3A_125 : i32
        %add3A_127 = arith.constant 0 : i32
        %add3A_128 = arith.addi %mul3A_126, %add3A_127 : i32
        %mul3A_129 = arith.constant 3072 : i32
        %mul3A_130 = arith.muli %add3A_128, %mul3A_129 : i32
        %add3A_131 = arith.addi %add3A, %mul3A_130 : i32
        %dma_wait3A_132 = tpu.memref_slice %arg3[%add3A_131] : memref<9633792xi32, #tpu.memory_space<hbm>> -> memref<3072xi32, #tpu.memory_space<hbm>>
        %dma_wait3A_133 = tpu.memref_slice %arg3[%add3A_131] : memref<9633792xi32, #tpu.memory_space<hbm>> -> memref<3072xi32, #tpu.memory_space<hbm>>
        tpu.wait_dma2 semaphore(%arg15 : memref<!tpu.dma_semaphore, #tpu.memory_space<semaphore_mem>>) src(%dma_wait3A_133 : memref<3072xi32, #tpu.memory_space<hbm>>) dst(%arg5 : memref<3072xi32, #tpu.memory_space<vmem>>)
        %dma_wait3A_134 = tpu.memref_slice %arg2[%add3A_131] : memref<9633792xf32, #tpu.memory_space<hbm>> -> memref<3072xf32, #tpu.memory_space<hbm>>
        %dma_wait3A_135 = tpu.memref_slice %arg2[%add3A_131] : memref<9633792xf32, #tpu.memory_space<hbm>> -> memref<3072xf32, #tpu.memory_space<hbm>>
        tpu.wait_dma2 semaphore(%arg15 : memref<!tpu.dma_semaphore, #tpu.memory_space<semaphore_mem>>) src(%dma_wait3A_135 : memref<3072xf32, #tpu.memory_space<hbm>>) dst(%arg7 : memref<3072xf32, #tpu.memory_space<vmem>>)
        %scan3A_136 = arith.constant 0 : i32
        %scan3A_137 = arith.constant 12 : i32
        %scan3A_138 = arith.addi %scan3A_136, %scan3A_137 : i32
        %scan3A_139 = arith.constant 1 : i32
        %scan3A_140 = scf.for %scan3A_368 = %scan3A_136 to %scan3A_138 step %scan3A_139 iter_args(%scan3A_369 = %scan3A_123) -> (i32)  : i32 {
          %mul3A_370 = arith.constant 16 : i32
          %mul3A_371 = arith.muli %scan3A_368, %mul3A_370 : i32
          %add3A_372 = arith.constant 0 : i32
          %add3A_373 = arith.addi %mul3A_371, %add3A_372 : i32
          %mul3A_374 = arith.constant 16 : i32
          %mul3A_375 = arith.muli %add3A_373, %mul3A_374 : i32
          %get3A = arith.index_cast %mul3A_375 : i32 to index
          %get3A_376 = tpu.vector_load %arg5[%get3A] {strides = array<i32>} : memref<3072xi32, #tpu.memory_space<vmem>>, vector<16xi32>,
          %get3A_377 = arith.index_cast %mul3A_375 : i32 to index
          %get3A_378 = tpu.vector_load %arg7[%get3A_377] {strides = array<i32>} : memref<3072xf32, #tpu.memory_space<vmem>>, vector<16xf32>,
          %sub3A_379 = vector.broadcast %mul3A_45 : i32 to vector<16xi32>
          %sub3A_380 = arith.subi %get3A_376, %sub3A_379 : vector<16xi32>
          %bitcast_convert_type3A = tpu.bitcast %sub3A_380 : vector<16xi32> -> vector<16xi32>
          %lt3A = vector.broadcast %scan3A_23 : i32 to vector<16xi32>
          %lt3A_381 = arith.cmpi ult, %bitcast_convert_type3A, %lt3A : vector<16xi32>
          %all_reduce_population_count3A = tpu.all_reduce %lt3A_381 {dim = 0 : i64, kind = #tpu.reduction_kind<sum>} : vector<16xi1> -> vector<16xi32>
          %slice3A = vector.extract_strided_slice %all_reduce_population_count3A {offsets = [0], sizes = [1], strides = [1]} : vector<16xi32> to vector<1xi32>
          %squeeze3A = vector.extract %slice3A[0] : i32 from vector<1xi32>
          %mul3A_382 = arith.constant 16 : i32
          %mul3A_383 = arith.muli %scan3A_368, %mul3A_382 : i32
          %add3A_384 = arith.constant 1 : i32
          %add3A_385 = arith.addi %mul3A_383, %add3A_384 : i32
          %mul3A_386 = arith.constant 16 : i32
          %mul3A_387 = arith.muli %add3A_385, %mul3A_386 : i32
          %get3A_388 = arith.index_cast %mul3A_387 : i32 to index
          %get3A_389 = tpu.vector_load %arg5[%get3A_388] {strides = array<i32>} : memref<3072xi32, #tpu.memory_space<vmem>>, vector<16xi32>,
          %get3A_390 = arith.index_cast %mul3A_387 : i32 to index
          %get3A_391 = tpu.vector_load %arg7[%get3A_390] {strides = array<i32>} : memref<3072xf32, #tpu.memory_space<vmem>>, vector<16xf32>,
          %sub3A_392 = vector.broadcast %mul3A_45 : i32 to vector<16xi32>
          %sub3A_393 = arith.subi %get3A_389, %sub3A_392 : vector<16xi32>
          %bitcast_convert_type3A_394 = tpu.bitcast %sub3A_393 : vector<16xi32> -> vector<16xi32>
          %lt3A_395 = vector.broadcast %scan3A_23 : i32 to vector<16xi32>
          %lt3A_396 = arith.cmpi ult, %bitcast_convert_type3A_394, %lt3A_395 : vector<16xi32>
          %all_reduce_population_count3A_397 = tpu.all_reduce %lt3A_396 {dim = 0 : i64, kind = #tpu.reduction_kind<sum>} : vector<16xi1> -> vector<16xi32>
          %slice3A_398 = vector.extract_strided_slice %all_reduce_population_count3A_397 {offsets = [0], sizes = [1], strides = [1]} : vector<16xi32> to vector<1xi32>
          %squeeze3A_399 = vector.extract %slice3A_398[0] : i32 from vector<1xi32>
          %mul3A_400 = arith.constant 16 : i32
          %mul3A_401 = arith.muli %scan3A_368, %mul3A_400 : i32
          %add3A_402 = arith.constant 2 : i32
          %add3A_403 = arith.addi %mul3A_401, %add3A_402 : i32
          %mul3A_404 = arith.constant 16 : i32
          %mul3A_405 = arith.muli %add3A_403, %mul3A_404 : i32
          %get3A_406 = arith.index_cast %mul3A_405 : i32 to index
          %get3A_407 = tpu.vector_load %arg5[%get3A_406] {strides = array<i32>} : memref<3072xi32, #tpu.memory_space<vmem>>, vector<16xi32>,
          %get3A_408 = arith.index_cast %mul3A_405 : i32 to index
          %get3A_409 = tpu.vector_load %arg7[%get3A_408] {strides = array<i32>} : memref<3072xf32, #tpu.memory_space<vmem>>, vector<16xf32>,
          %sub3A_410 = vector.broadcast %mul3A_45 : i32 to vector<16xi32>
          %sub3A_411 = arith.subi %get3A_407, %sub3A_410 : vector<16xi32>
          %bitcast_convert_type3A_412 = tpu.bitcast %sub3A_411 : vector<16xi32> -> vector<16xi32>
          %lt3A_413 = vector.broadcast %scan3A_23 : i32 to vector<16xi32>
          %lt3A_414 = arith.cmpi ult, %bitcast_convert_type3A_412, %lt3A_413 : vector<16xi32>
          %all_reduce_population_count3A_415 = tpu.all_reduce %lt3A_414 {dim = 0 : i64, kind = #tpu.reduction_kind<sum>} : vector<16xi1> -> vector<16xi32>
          %slice3A_416 = vector.extract_strided_slice %all_reduce_population_count3A_415 {offsets = [0], sizes = [1], strides = [1]} : vector<16xi32> to vector<1xi32>
          %squeeze3A_417 = vector.extract %slice3A_416[0] : i32 from vector<1xi32>
          %mul3A_418 = arith.constant 16 : i32
          %mul3A_419 = arith.muli %scan3A_368, %mul3A_418 : i32
          %add3A_420 = arith.constant 3 : i32
          %add3A_421 = arith.addi %mul3A_419, %add3A_420 : i32
          %mul3A_422 = arith.constant 16 : i32
          %mul3A_423 = arith.muli %add3A_421, %mul3A_422 : i32
          %get3A_424 = arith.index_cast %mul3A_423 : i32 to index
          %get3A_425 = tpu.vector_load %arg5[%get3A_424] {strides = array<i32>} : memref<3072xi32, #tpu.memory_space<vmem>>, vector<16xi32>,
          %get3A_426 = arith.index_cast %mul3A_423 : i32 to index
          %get3A_427 = tpu.vector_load %arg7[%get3A_426] {strides = array<i32>} : memref<3072xf32, #tpu.memory_space<vmem>>, vector<16xf32>,
          %sub3A_428 = vector.broadcast %mul3A_45 : i32 to vector<16xi32>
          %sub3A_429 = arith.subi %get3A_425, %sub3A_428 : vector<16xi32>
          %bitcast_convert_type3A_430 = tpu.bitcast %sub3A_429 : vector<16xi32> -> vector<16xi32>
          %lt3A_431 = vector.broadcast %scan3A_23 : i32 to vector<16xi32>
          %lt3A_432 = arith.cmpi ult, %bitcast_convert_type3A_430, %lt3A_431 : vector<16xi32>
          %all_reduce_population_count3A_433 = tpu.all_reduce %lt3A_432 {dim = 0 : i64, kind = #tpu.reduction_kind<sum>} : vector<16xi1> -> vector<16xi32>
          %slice3A_434 = vector.extract_strided_slice %all_reduce_population_count3A_433 {offsets = [0], sizes = [1], strides = [1]} : vector<16xi32> to vector<1xi32>
          %squeeze3A_435 = vector.extract %slice3A_434[0] : i32 from vector<1xi32>
          %mul3A_436 = arith.constant 16 : i32
          %mul3A_437 = arith.muli %scan3A_368, %mul3A_436 : i32
          %add3A_438 = arith.constant 4 : i32
          %add3A_439 = arith.addi %mul3A_437, %add3A_438 : i32
          %mul3A_440 = arith.constant 16 : i32
          %mul3A_441 = arith.muli %add3A_439, %mul3A_440 : i32
          %get3A_442 = arith.index_cast %mul3A_441 : i32 to index
          %get3A_443 = tpu.vector_load %arg5[%get3A_442] {strides = array<i32>} : memref<3072xi32, #tpu.memory_space<vmem>>, vector<16xi32>,
          %get3A_444 = arith.index_cast %mul3A_441 : i32 to index
          %get3A_445 = tpu.vector_load %arg7[%get3A_444] {strides = array<i32>} : memref<3072xf32, #tpu.memory_space<vmem>>, vector<16xf32>,
          %sub3A_446 = vector.broadcast %mul3A_45 : i32 to vector<16xi32>
          %sub3A_447 = arith.subi %get3A_443, %sub3A_446 : vector<16xi32>
          %bitcast_convert_type3A_448 = tpu.bitcast %sub3A_447 : vector<16xi32> -> vector<16xi32>
          %lt3A_449 = vector.broadcast %scan3A_23 : i32 to vector<16xi32>
          %lt3A_450 = arith.cmpi ult, %bitcast_convert_type3A_448, %lt3A_449 : vector<16xi32>
          %all_reduce_population_count3A_451 = tpu.all_reduce %lt3A_450 {dim = 0 : i64, kind = #tpu.reduction_kind<sum>} : vector<16xi1> -> vector<16xi32>
          %slice3A_452 = vector.extract_strided_slice %all_reduce_population_count3A_451 {offsets = [0], sizes = [1], strides = [1]} : vector<16xi32> to vector<1xi32>
          %squeeze3A_453 = vector.extract %slice3A_452[0] : i32 from vector<1xi32>
          %mul3A_454 = arith.constant 16 : i32
          %mul3A_455 = arith.muli %scan3A_368, %mul3A_454 : i32
          %add3A_456 = arith.constant 5 : i32
          %add3A_457 = arith.addi %mul3A_455, %add3A_456 : i32
          %mul3A_458 = arith.constant 16 : i32
          %mul3A_459 = arith.muli %add3A_457, %mul3A_458 : i32
          %get3A_460 = arith.index_cast %mul3A_459 : i32 to index
          %get3A_461 = tpu.vector_load %arg5[%get3A_460] {strides = array<i32>} : memref<3072xi32, #tpu.memory_space<vmem>>, vector<16xi32>,
          %get3A_462 = arith.index_cast %mul3A_459 : i32 to index
          %get3A_463 = tpu.vector_load %arg7[%get3A_462] {strides = array<i32>} : memref<3072xf32, #tpu.memory_space<vmem>>, vector<16xf32>,
          %sub3A_464 = vector.broadcast %mul3A_45 : i32 to vector<16xi32>
          %sub3A_465 = arith.subi %get3A_461, %sub3A_464 : vector<16xi32>
          %bitcast_convert_type3A_466 = tpu.bitcast %sub3A_465 : vector<16xi32> -> vector<16xi32>
          %lt3A_467 = vector.broadcast %scan3A_23 : i32 to vector<16xi32>
          %lt3A_468 = arith.cmpi ult, %bitcast_convert_type3A_466, %lt3A_467 : vector<16xi32>
          %all_reduce_population_count3A_469 = tpu.all_reduce %lt3A_468 {dim = 0 : i64, kind = #tpu.reduction_kind<sum>} : vector<16xi1> -> vector<16xi32>
          %slice3A_470 = vector.extract_strided_slice %all_reduce_population_count3A_469 {offsets = [0], sizes = [1], strides = [1]} : vector<16xi32> to vector<1xi32>
          %squeeze3A_471 = vector.extract %slice3A_470[0] : i32 from vector<1xi32>
          %mul3A_472 = arith.constant 16 : i32
          %mul3A_473 = arith.muli %scan3A_368, %mul3A_472 : i32
          %add3A_474 = arith.constant 6 : i32
          %add3A_475 = arith.addi %mul3A_473, %add3A_474 : i32
          %mul3A_476 = arith.constant 16 : i32
          %mul3A_477 = arith.muli %add3A_475, %mul3A_476 : i32
          %get3A_478 = arith.index_cast %mul3A_477 : i32 to index
          %get3A_479 = tpu.vector_load %arg5[%get3A_478] {strides = array<i32>} : memref<3072xi32, #tpu.memory_space<vmem>>, vector<16xi32>,
          %get3A_480 = arith.index_cast %mul3A_477 : i32 to index
          %get3A_481 = tpu.vector_load %arg7[%get3A_480] {strides = array<i32>} : memref<3072xf32, #tpu.memory_space<vmem>>, vector<16xf32>,
          %sub3A_482 = vector.broadcast %mul3A_45 : i32 to vector<16xi32>
          %sub3A_483 = arith.subi %get3A_479, %sub3A_482 : vector<16xi32>
          %bitcast_convert_type3A_484 = tpu.bitcast %sub3A_483 : vector<16xi32> -> vector<16xi32>
          %lt3A_485 = vector.broadcast %scan3A_23 : i32 to vector<16xi32>
          %lt3A_486 = arith.cmpi ult, %bitcast_convert_type3A_484, %lt3A_485 : vector<16xi32>
          %all_reduce_population_count3A_487 = tpu.all_reduce %lt3A_486 {dim = 0 : i64, kind = #tpu.reduction_kind<sum>} : vector<16xi1> -> vector<16xi32>
          %slice3A_488 = vector.extract_strided_slice %all_reduce_population_count3A_487 {offsets = [0], sizes = [1], strides = [1]} : vector<16xi32> to vector<1xi32>
          %squeeze3A_489 = vector.extract %slice3A_488[0] : i32 from vector<1xi32>
          %mul3A_490 = arith.constant 16 : i32
          %mul3A_491 = arith.muli %scan3A_368, %mul3A_490 : i32
          %add3A_492 = arith.constant 7 : i32
          %add3A_493 = arith.addi %mul3A_491, %add3A_492 : i32
          %mul3A_494 = arith.constant 16 : i32
          %mul3A_495 = arith.muli %add3A_493, %mul3A_494 : i32
          %get3A_496 = arith.index_cast %mul3A_495 : i32 to index
          %get3A_497 = tpu.vector_load %arg5[%get3A_496] {strides = array<i32>} : memref<3072xi32, #tpu.memory_space<vmem>>, vector<16xi32>,
          %get3A_498 = arith.index_cast %mul3A_495 : i32 to index
          %get3A_499 = tpu.vector_load %arg7[%get3A_498] {strides = array<i32>} : memref<3072xf32, #tpu.memory_space<vmem>>, vector<16xf32>,
          %sub3A_500 = vector.broadcast %mul3A_45 : i32 to vector<16xi32>
          %sub3A_501 = arith.subi %get3A_497, %sub3A_500 : vector<16xi32>
          %bitcast_convert_type3A_502 = tpu.bitcast %sub3A_501 : vector<16xi32> -> vector<16xi32>
          %lt3A_503 = vector.broadcast %scan3A_23 : i32 to vector<16xi32>
          %lt3A_504 = arith.cmpi ult, %bitcast_convert_type3A_502, %lt3A_503 : vector<16xi32>
          %all_reduce_population_count3A_505 = tpu.all_reduce %lt3A_504 {dim = 0 : i64, kind = #tpu.reduction_kind<sum>} : vector<16xi1> -> vector<16xi32>
          %slice3A_506 = vector.extract_strided_slice %all_reduce_population_count3A_505 {offsets = [0], sizes = [1], strides = [1]} : vector<16xi32> to vector<1xi32>
          %squeeze3A_507 = vector.extract %slice3A_506[0] : i32 from vector<1xi32>
          %mul3A_508 = arith.constant 16 : i32
          %mul3A_509 = arith.muli %scan3A_368, %mul3A_508 : i32
          %add3A_510 = arith.constant 8 : i32
          %add3A_511 = arith.addi %mul3A_509, %add3A_510 : i32
          %mul3A_512 = arith.constant 16 : i32
          %mul3A_513 = arith.muli %add3A_511, %mul3A_512 : i32
          %get3A_514 = arith.index_cast %mul3A_513 : i32 to index
          %get3A_515 = tpu.vector_load %arg5[%get3A_514] {strides = array<i32>} : memref<3072xi32, #tpu.memory_space<vmem>>, vector<16xi32>,
          %get3A_516 = arith.index_cast %mul3A_513 : i32 to index
          %get3A_517 = tpu.vector_load %arg7[%get3A_516] {strides = array<i32>} : memref<3072xf32, #tpu.memory_space<vmem>>, vector<16xf32>,
          %sub3A_518 = vector.broadcast %mul3A_45 : i32 to vector<16xi32>
          %sub3A_519 = arith.subi %get3A_515, %sub3A_518 : vector<16xi32>
          %bitcast_convert_type3A_520 = tpu.bitcast %sub3A_519 : vector<16xi32> -> vector<16xi32>
          %lt3A_521 = vector.broadcast %scan3A_23 : i32 to vector<16xi32>
          %lt3A_522 = arith.cmpi ult, %bitcast_convert_type3A_520, %lt3A_521 : vector<16xi32>
          %all_reduce_population_count3A_523 = tpu.all_reduce %lt3A_522 {dim = 0 : i64, kind = #tpu.reduction_kind<sum>} : vector<16xi1> -> vector<16xi32>
          %slice3A_524 = vector.extract_strided_slice %all_reduce_population_count3A_523 {offsets = [0], sizes = [1], strides = [1]} : vector<16xi32> to vector<1xi32>
          %squeeze3A_525 = vector.extract %slice3A_524[0] : i32 from vector<1xi32>
          %mul3A_526 = arith.constant 16 : i32
          %mul3A_527 = arith.muli %scan3A_368, %mul3A_526 : i32
          %add3A_528 = arith.constant 9 : i32
          %add3A_529 = arith.addi %mul3A_527, %add3A_528 : i32
          %mul3A_530 = arith.constant 16 : i32
          %mul3A_531 = arith.muli %add3A_529, %mul3A_530 : i32
          %get3A_532 = arith.index_cast %mul3A_531 : i32 to index
          %get3A_533 = tpu.vector_load %arg5[%get3A_532] {strides = array<i32>} : memref<3072xi32, #tpu.memory_space<vmem>>, vector<16xi32>,
          %get3A_534 = arith.index_cast %mul3A_531 : i32 to index
          %get3A_535 = tpu.vector_load %arg7[%get3A_534] {strides = array<i32>} : memref<3072xf32, #tpu.memory_space<vmem>>, vector<16xf32>,
          %sub3A_536 = vector.broadcast %mul3A_45 : i32 to vector<16xi32>
          %sub3A_537 = arith.subi %get3A_533, %sub3A_536 : vector<16xi32>
          %bitcast_convert_type3A_538 = tpu.bitcast %sub3A_537 : vector<16xi32> -> vector<16xi32>
          %lt3A_539 = vector.broadcast %scan3A_23 : i32 to vector<16xi32>
          %lt3A_540 = arith.cmpi ult, %bitcast_convert_type3A_538, %lt3A_539 : vector<16xi32>
          %all_reduce_population_count3A_541 = tpu.all_reduce %lt3A_540 {dim = 0 : i64, kind = #tpu.reduction_kind<sum>} : vector<16xi1> -> vector<16xi32>
          %slice3A_542 = vector.extract_strided_slice %all_reduce_population_count3A_541 {offsets = [0], sizes = [1], strides = [1]} : vector<16xi32> to vector<1xi32>
          %squeeze3A_543 = vector.extract %slice3A_542[0] : i32 from vector<1xi32>
          %mul3A_544 = arith.constant 16 : i32
          %mul3A_545 = arith.muli %scan3A_368, %mul3A_544 : i32
          %add3A_546 = arith.constant 10 : i32
          %add3A_547 = arith.addi %mul3A_545, %add3A_546 : i32
          %mul3A_548 = arith.constant 16 : i32
          %mul3A_549 = arith.muli %add3A_547, %mul3A_548 : i32
          %get3A_550 = arith.index_cast %mul3A_549 : i32 to index
          %get3A_551 = tpu.vector_load %arg5[%get3A_550] {strides = array<i32>} : memref<3072xi32, #tpu.memory_space<vmem>>, vector<16xi32>,
          %get3A_552 = arith.index_cast %mul3A_549 : i32 to index
          %get3A_553 = tpu.vector_load %arg7[%get3A_552] {strides = array<i32>} : memref<3072xf32, #tpu.memory_space<vmem>>, vector<16xf32>,
          %sub3A_554 = vector.broadcast %mul3A_45 : i32 to vector<16xi32>
          %sub3A_555 = arith.subi %get3A_551, %sub3A_554 : vector<16xi32>
          %bitcast_convert_type3A_556 = tpu.bitcast %sub3A_555 : vector<16xi32> -> vector<16xi32>
          %lt3A_557 = vector.broadcast %scan3A_23 : i32 to vector<16xi32>
          %lt3A_558 = arith.cmpi ult, %bitcast_convert_type3A_556, %lt3A_557 : vector<16xi32>
          %all_reduce_population_count3A_559 = tpu.all_reduce %lt3A_558 {dim = 0 : i64, kind = #tpu.reduction_kind<sum>} : vector<16xi1> -> vector<16xi32>
          %slice3A_560 = vector.extract_strided_slice %all_reduce_population_count3A_559 {offsets = [0], sizes = [1], strides = [1]} : vector<16xi32> to vector<1xi32>
          %squeeze3A_561 = vector.extract %slice3A_560[0] : i32 from vector<1xi32>
          %mul3A_562 = arith.constant 16 : i32
          %mul3A_563 = arith.muli %scan3A_368, %mul3A_562 : i32
          %add3A_564 = arith.constant 11 : i32
          %add3A_565 = arith.addi %mul3A_563, %add3A_564 : i32
          %mul3A_566 = arith.constant 16 : i32
          %mul3A_567 = arith.muli %add3A_565, %mul3A_566 : i32
          %get3A_568 = arith.index_cast %mul3A_567 : i32 to index
          %get3A_569 = tpu.vector_load %arg5[%get3A_568] {strides = array<i32>} : memref<3072xi32, #tpu.memory_space<vmem>>, vector<16xi32>,
          %get3A_570 = arith.index_cast %mul3A_567 : i32 to index
          %get3A_571 = tpu.vector_load %arg7[%get3A_570] {strides = array<i32>} : memref<3072xf32, #tpu.memory_space<vmem>>, vector<16xf32>,
          %sub3A_572 = vector.broadcast %mul3A_45 : i32 to vector<16xi32>
          %sub3A_573 = arith.subi %get3A_569, %sub3A_572 : vector<16xi32>
          %bitcast_convert_type3A_574 = tpu.bitcast %sub3A_573 : vector<16xi32> -> vector<16xi32>
          %lt3A_575 = vector.broadcast %scan3A_23 : i32 to vector<16xi32>
          %lt3A_576 = arith.cmpi ult, %bitcast_convert_type3A_574, %lt3A_575 : vector<16xi32>
          %all_reduce_population_count3A_577 = tpu.all_reduce %lt3A_576 {dim = 0 : i64, kind = #tpu.reduction_kind<sum>} : vector<16xi1> -> vector<16xi32>
          %slice3A_578 = vector.extract_strided_slice %all_reduce_population_count3A_577 {offsets = [0], sizes = [1], strides = [1]} : vector<16xi32> to vector<1xi32>
          %squeeze3A_579 = vector.extract %slice3A_578[0] : i32 from vector<1xi32>
          %mul3A_580 = arith.constant 16 : i32
          %mul3A_581 = arith.muli %scan3A_368, %mul3A_580 : i32
          %add3A_582 = arith.constant 12 : i32
          %add3A_583 = arith.addi %mul3A_581, %add3A_582 : i32
          %mul3A_584 = arith.constant 16 : i32
          %mul3A_585 = arith.muli %add3A_583, %mul3A_584 : i32
          %get3A_586 = arith.index_cast %mul3A_585 : i32 to index
          %get3A_587 = tpu.vector_load %arg5[%get3A_586] {strides = array<i32>} : memref<3072xi32, #tpu.memory_space<vmem>>, vector<16xi32>,
          %get3A_588 = arith.index_cast %mul3A_585 : i32 to index
          %get3A_589 = tpu.vector_load %arg7[%get3A_588] {strides = array<i32>} : memref<3072xf32, #tpu.memory_space<vmem>>, vector<16xf32>,
          %sub3A_590 = vector.broadcast %mul3A_45 : i32 to vector<16xi32>
          %sub3A_591 = arith.subi %get3A_587, %sub3A_590 : vector<16xi32>
          %bitcast_convert_type3A_592 = tpu.bitcast %sub3A_591 : vector<16xi32> -> vector<16xi32>
          %lt3A_593 = vector.broadcast %scan3A_23 : i32 to vector<16xi32>
          %lt3A_594 = arith.cmpi ult, %bitcast_convert_type3A_592, %lt3A_593 : vector<16xi32>
          %all_reduce_population_count3A_595 = tpu.all_reduce %lt3A_594 {dim = 0 : i64, kind = #tpu.reduction_kind<sum>} : vector<16xi1> -> vector<16xi32>
          %slice3A_596 = vector.extract_strided_slice %all_reduce_population_count3A_595 {offsets = [0], sizes = [1], strides = [1]} : vector<16xi32> to vector<1xi32>
          %squeeze3A_597 = vector.extract %slice3A_596[0] : i32 from vector<1xi32>
          %mul3A_598 = arith.constant 16 : i32
          %mul3A_599 = arith.muli %scan3A_368, %mul3A_598 : i32
          %add3A_600 = arith.constant 13 : i32
          %add3A_601 = arith.addi %mul3A_599, %add3A_600 : i32
          %mul3A_602 = arith.constant 16 : i32
          %mul3A_603 = arith.muli %add3A_601, %mul3A_602 : i32
          %get3A_604 = arith.index_cast %mul3A_603 : i32 to index
          %get3A_605 = tpu.vector_load %arg5[%get3A_604] {strides = array<i32>} : memref<3072xi32, #tpu.memory_space<vmem>>, vector<16xi32>,
          %get3A_606 = arith.index_cast %mul3A_603 : i32 to index
          %get3A_607 = tpu.vector_load %arg7[%get3A_606] {strides = array<i32>} : memref<3072xf32, #tpu.memory_space<vmem>>, vector<16xf32>,
          %sub3A_608 = vector.broadcast %mul3A_45 : i32 to vector<16xi32>
          %sub3A_609 = arith.subi %get3A_605, %sub3A_608 : vector<16xi32>
          %bitcast_convert_type3A_610 = tpu.bitcast %sub3A_609 : vector<16xi32> -> vector<16xi32>
          %lt3A_611 = vector.broadcast %scan3A_23 : i32 to vector<16xi32>
          %lt3A_612 = arith.cmpi ult, %bitcast_convert_type3A_610, %lt3A_611 : vector<16xi32>
          %all_reduce_population_count3A_613 = tpu.all_reduce %lt3A_612 {dim = 0 : i64, kind = #tpu.reduction_kind<sum>} : vector<16xi1> -> vector<16xi32>
          %slice3A_614 = vector.extract_strided_slice %all_reduce_population_count3A_613 {offsets = [0], sizes = [1], strides = [1]} : vector<16xi32> to vector<1xi32>
          %squeeze3A_615 = vector.extract %slice3A_614[0] : i32 from vector<1xi32>
          %mul3A_616 = arith.constant 16 : i32
          %mul3A_617 = arith.muli %scan3A_368, %mul3A_616 : i32
          %add3A_618 = arith.constant 14 : i32
          %add3A_619 = arith.addi %mul3A_617, %add3A_618 : i32
          %mul3A_620 = arith.constant 16 : i32
          %mul3A_621 = arith.muli %add3A_619, %mul3A_620 : i32
          %get3A_622 = arith.index_cast %mul3A_621 : i32 to index
          %get3A_623 = tpu.vector_load %arg5[%get3A_622] {strides = array<i32>} : memref<3072xi32, #tpu.memory_space<vmem>>, vector<16xi32>,
          %get3A_624 = arith.index_cast %mul3A_621 : i32 to index
          %get3A_625 = tpu.vector_load %arg7[%get3A_624] {strides = array<i32>} : memref<3072xf32, #tpu.memory_space<vmem>>, vector<16xf32>,
          %sub3A_626 = vector.broadcast %mul3A_45 : i32 to vector<16xi32>
          %sub3A_627 = arith.subi %get3A_623, %sub3A_626 : vector<16xi32>
          %bitcast_convert_type3A_628 = tpu.bitcast %sub3A_627 : vector<16xi32> -> vector<16xi32>
          %lt3A_629 = vector.broadcast %scan3A_23 : i32 to vector<16xi32>
          %lt3A_630 = arith.cmpi ult, %bitcast_convert_type3A_628, %lt3A_629 : vector<16xi32>
          %all_reduce_population_count3A_631 = tpu.all_reduce %lt3A_630 {dim = 0 : i64, kind = #tpu.reduction_kind<sum>} : vector<16xi1> -> vector<16xi32>
          %slice3A_632 = vector.extract_strided_slice %all_reduce_population_count3A_631 {offsets = [0], sizes = [1], strides = [1]} : vector<16xi32> to vector<1xi32>
          %squeeze3A_633 = vector.extract %slice3A_632[0] : i32 from vector<1xi32>
          %mul3A_634 = arith.constant 16 : i32
          %mul3A_635 = arith.muli %scan3A_368, %mul3A_634 : i32
          %add3A_636 = arith.constant 15 : i32
          %add3A_637 = arith.addi %mul3A_635, %add3A_636 : i32
          %mul3A_638 = arith.constant 16 : i32
          %mul3A_639 = arith.muli %add3A_637, %mul3A_638 : i32
          %get3A_640 = arith.index_cast %mul3A_639 : i32 to index
          %get3A_641 = tpu.vector_load %arg5[%get3A_640] {strides = array<i32>} : memref<3072xi32, #tpu.memory_space<vmem>>, vector<16xi32>,
          %get3A_642 = arith.index_cast %mul3A_639 : i32 to index
          %get3A_643 = tpu.vector_load %arg7[%get3A_642] {strides = array<i32>} : memref<3072xf32, #tpu.memory_space<vmem>>, vector<16xf32>,
          %sub3A_644 = vector.broadcast %mul3A_45 : i32 to vector<16xi32>
          %sub3A_645 = arith.subi %get3A_641, %sub3A_644 : vector<16xi32>
          %bitcast_convert_type3A_646 = tpu.bitcast %sub3A_645 : vector<16xi32> -> vector<16xi32>
          %lt3A_647 = vector.broadcast %scan3A_23 : i32 to vector<16xi32>
          %lt3A_648 = arith.cmpi ult, %bitcast_convert_type3A_646, %lt3A_647 : vector<16xi32>
          %all_reduce_population_count3A_649 = tpu.all_reduce %lt3A_648 {dim = 0 : i64, kind = #tpu.reduction_kind<sum>} : vector<16xi1> -> vector<16xi32>
          %slice3A_650 = vector.extract_strided_slice %all_reduce_population_count3A_649 {offsets = [0], sizes = [1], strides = [1]} : vector<16xi32> to vector<1xi32>
          %squeeze3A_651 = vector.extract %slice3A_650[0] : i32 from vector<1xi32>
          %swap3A = arith.index_cast %scan3A_369 : i32 to index
          %swap3A_652 = tpu.vector_load %arg9[%swap3A] masked %lt3A_381 {strides = array<i32>} : memref<3344xi32, #tpu.memory_space<vmem>>, vector<16xi32>, vector<16xi1>
          tpu.vector_store %arg9[%swap3A], %sub3A_380 masked %lt3A_381 {strides = array<i32>} : memref<3344xi32, #tpu.memory_space<vmem>>, vector<16xi32>, vector<16xi1>
          %swap3A_653 = arith.index_cast %scan3A_369 : i32 to index
          %swap3A_654 = tpu.vector_load %arg11[%swap3A_653] masked %lt3A_381 {strides = array<i32>} : memref<3344xf32, #tpu.memory_space<vmem>>, vector<16xf32>, vector<16xi1>
          tpu.vector_store %arg11[%swap3A_653], %get3A_378 masked %lt3A_381 {strides = array<i32>} : memref<3344xf32, #tpu.memory_space<vmem>>, vector<16xf32>, vector<16xi1>
          %add3A_655 = arith.addi %scan3A_369, %squeeze3A : i32
          %swap3A_656 = arith.index_cast %add3A_655 : i32 to index
          %swap3A_657 = tpu.vector_load %arg9[%swap3A_656] masked %lt3A_396 {strides = array<i32>} : memref<3344xi32, #tpu.memory_space<vmem>>, vector<16xi32>, vector<16xi1>
          tpu.vector_store %arg9[%swap3A_656], %sub3A_393 masked %lt3A_396 {strides = array<i32>} : memref<3344xi32, #tpu.memory_space<vmem>>, vector<16xi32>, vector<16xi1>
          %swap3A_658 = arith.index_cast %add3A_655 : i32 to index
          %swap3A_659 = tpu.vector_load %arg11[%swap3A_658] masked %lt3A_396 {strides = array<i32>} : memref<3344xf32, #tpu.memory_space<vmem>>, vector<16xf32>, vector<16xi1>
          tpu.vector_store %arg11[%swap3A_658], %get3A_391 masked %lt3A_396 {strides = array<i32>} : memref<3344xf32, #tpu.memory_space<vmem>>, vector<16xf32>, vector<16xi1>
          %add3A_660 = arith.addi %add3A_655, %squeeze3A_399 : i32
          %swap3A_661 = arith.index_cast %add3A_660 : i32 to index
          %swap3A_662 = tpu.vector_load %arg9[%swap3A_661] masked %lt3A_414 {strides = array<i32>} : memref<3344xi32, #tpu.memory_space<vmem>>, vector<16xi32>, vector<16xi1>
          tpu.vector_store %arg9[%swap3A_661], %sub3A_411 masked %lt3A_414 {strides = array<i32>} : memref<3344xi32, #tpu.memory_space<vmem>>, vector<16xi32>, vector<16xi1>
          %swap3A_663 = arith.index_cast %add3A_660 : i32 to index
          %swap3A_664 = tpu.vector_load %arg11[%swap3A_663] masked %lt3A_414 {strides = array<i32>} : memref<3344xf32, #tpu.memory_space<vmem>>, vector<16xf32>, vector<16xi1>
          tpu.vector_store %arg11[%swap3A_663], %get3A_409 masked %lt3A_414 {strides = array<i32>} : memref<3344xf32, #tpu.memory_space<vmem>>, vector<16xf32>, vector<16xi1>
          %add3A_665 = arith.addi %add3A_660, %squeeze3A_417 : i32
          %swap3A_666 = arith.index_cast %add3A_665 : i32 to index
          %swap3A_667 = tpu.vector_load %arg9[%swap3A_666] masked %lt3A_432 {strides = array<i32>} : memref<3344xi32, #tpu.memory_space<vmem>>, vector<16xi32>, vector<16xi1>
          tpu.vector_store %arg9[%swap3A_666], %sub3A_429 masked %lt3A_432 {strides = array<i32>} : memref<3344xi32, #tpu.memory_space<vmem>>, vector<16xi32>, vector<16xi1>
          %swap3A_668 = arith.index_cast %add3A_665 : i32 to index
          %swap3A_669 = tpu.vector_load %arg11[%swap3A_668] masked %lt3A_432 {strides = array<i32>} : memref<3344xf32, #tpu.memory_space<vmem>>, vector<16xf32>, vector<16xi1>
          tpu.vector_store %arg11[%swap3A_668], %get3A_427 masked %lt3A_432 {strides = array<i32>} : memref<3344xf32, #tpu.memory_space<vmem>>, vector<16xf32>, vector<16xi1>
          %add3A_670 = arith.addi %add3A_665, %squeeze3A_435 : i32
          %swap3A_671 = arith.index_cast %add3A_670 : i32 to index
          %swap3A_672 = tpu.vector_load %arg9[%swap3A_671] masked %lt3A_450 {strides = array<i32>} : memref<3344xi32, #tpu.memory_space<vmem>>, vector<16xi32>, vector<16xi1>
          tpu.vector_store %arg9[%swap3A_671], %sub3A_447 masked %lt3A_450 {strides = array<i32>} : memref<3344xi32, #tpu.memory_space<vmem>>, vector<16xi32>, vector<16xi1>
          %swap3A_673 = arith.index_cast %add3A_670 : i32 to index
          %swap3A_674 = tpu.vector_load %arg11[%swap3A_673] masked %lt3A_450 {strides = array<i32>} : memref<3344xf32, #tpu.memory_space<vmem>>, vector<16xf32>, vector<16xi1>
          tpu.vector_store %arg11[%swap3A_673], %get3A_445 masked %lt3A_450 {strides = array<i32>} : memref<3344xf32, #tpu.memory_space<vmem>>, vector<16xf32>, vector<16xi1>
          %add3A_675 = arith.addi %add3A_670, %squeeze3A_453 : i32
          %swap3A_676 = arith.index_cast %add3A_675 : i32 to index
          %swap3A_677 = tpu.vector_load %arg9[%swap3A_676] masked %lt3A_468 {strides = array<i32>} : memref<3344xi32, #tpu.memory_space<vmem>>, vector<16xi32>, vector<16xi1>
          tpu.vector_store %arg9[%swap3A_676], %sub3A_465 masked %lt3A_468 {strides = array<i32>} : memref<3344xi32, #tpu.memory_space<vmem>>, vector<16xi32>, vector<16xi1>
          %swap3A_678 = arith.index_cast %add3A_675 : i32 to index
          %swap3A_679 = tpu.vector_load %arg11[%swap3A_678] masked %lt3A_468 {strides = array<i32>} : memref<3344xf32, #tpu.memory_space<vmem>>, vector<16xf32>, vector<16xi1>
          tpu.vector_store %arg11[%swap3A_678], %get3A_463 masked %lt3A_468 {strides = array<i32>} : memref<3344xf32, #tpu.memory_space<vmem>>, vector<16xf32>, vector<16xi1>
          %add3A_680 = arith.addi %add3A_675, %squeeze3A_471 : i32
          %swap3A_681 = arith.index_cast %add3A_680 : i32 to index
          %swap3A_682 = tpu.vector_load %arg9[%swap3A_681] masked %lt3A_486 {strides = array<i32>} : memref<3344xi32, #tpu.memory_space<vmem>>, vector<16xi32>, vector<16xi1>
          tpu.vector_store %arg9[%swap3A_681], %sub3A_483 masked %lt3A_486 {strides = array<i32>} : memref<3344xi32, #tpu.memory_space<vmem>>, vector<16xi32>, vector<16xi1>
          %swap3A_683 = arith.index_cast %add3A_680 : i32 to index
          %swap3A_684 = tpu.vector_load %arg11[%swap3A_683] masked %lt3A_486 {strides = array<i32>} : memref<3344xf32, #tpu.memory_space<vmem>>, vector<16xf32>, vector<16xi1>
          tpu.vector_store %arg11[%swap3A_683], %get3A_481 masked %lt3A_486 {strides = array<i32>} : memref<3344xf32, #tpu.memory_space<vmem>>, vector<16xf32>, vector<16xi1>
          %add3A_685 = arith.addi %add3A_680, %squeeze3A_489 : i32
          %swap3A_686 = arith.index_cast %add3A_685 : i32 to index
          %swap3A_687 = tpu.vector_load %arg9[%swap3A_686] masked %lt3A_504 {strides = array<i32>} : memref<3344xi32, #tpu.memory_space<vmem>>, vector<16xi32>, vector<16xi1>
          tpu.vector_store %arg9[%swap3A_686], %sub3A_501 masked %lt3A_504 {strides = array<i32>} : memref<3344xi32, #tpu.memory_space<vmem>>, vector<16xi32>, vector<16xi1>
          %swap3A_688 = arith.index_cast %add3A_685 : i32 to index
          %swap3A_689 = tpu.vector_load %arg11[%swap3A_688] masked %lt3A_504 {strides = array<i32>} : memref<3344xf32, #tpu.memory_space<vmem>>, vector<16xf32>, vector<16xi1>
          tpu.vector_store %arg11[%swap3A_688], %get3A_499 masked %lt3A_504 {strides = array<i32>} : memref<3344xf32, #tpu.memory_space<vmem>>, vector<16xf32>, vector<16xi1>
          %add3A_690 = arith.addi %add3A_685, %squeeze3A_507 : i32
          %swap3A_691 = arith.index_cast %add3A_690 : i32 to index
          %swap3A_692 = tpu.vector_load %arg9[%swap3A_691] masked %lt3A_522 {strides = array<i32>} : memref<3344xi32, #tpu.memory_space<vmem>>, vector<16xi32>, vector<16xi1>
          tpu.vector_store %arg9[%swap3A_691], %sub3A_519 masked %lt3A_522 {strides = array<i32>} : memref<3344xi32, #tpu.memory_space<vmem>>, vector<16xi32>, vector<16xi1>
          %swap3A_693 = arith.index_cast %add3A_690 : i32 to index
          %swap3A_694 = tpu.vector_load %arg11[%swap3A_693] masked %lt3A_522 {strides = array<i32>} : memref<3344xf32, #tpu.memory_space<vmem>>, vector<16xf32>, vector<16xi1>
          tpu.vector_store %arg11[%swap3A_693], %get3A_517 masked %lt3A_522 {strides = array<i32>} : memref<3344xf32, #tpu.memory_space<vmem>>, vector<16xf32>, vector<16xi1>
          %add3A_695 = arith.addi %add3A_690, %squeeze3A_525 : i32
          %swap3A_696 = arith.index_cast %add3A_695 : i32 to index
          %swap3A_697 = tpu.vector_load %arg9[%swap3A_696] masked %lt3A_540 {strides = array<i32>} : memref<3344xi32, #tpu.memory_space<vmem>>, vector<16xi32>, vector<16xi1>
          tpu.vector_store %arg9[%swap3A_696], %sub3A_537 masked %lt3A_540 {strides = array<i32>} : memref<3344xi32, #tpu.memory_space<vmem>>, vector<16xi32>, vector<16xi1>
          %swap3A_698 = arith.index_cast %add3A_695 : i32 to index
          %swap3A_699 = tpu.vector_load %arg11[%swap3A_698] masked %lt3A_540 {strides = array<i32>} : memref<3344xf32, #tpu.memory_space<vmem>>, vector<16xf32>, vector<16xi1>
          tpu.vector_store %arg11[%swap3A_698], %get3A_535 masked %lt3A_540 {strides = array<i32>} : memref<3344xf32, #tpu.memory_space<vmem>>, vector<16xf32>, vector<16xi1>
          %add3A_700 = arith.addi %add3A_695, %squeeze3A_543 : i32
          %swap3A_701 = arith.index_cast %add3A_700 : i32 to index
          %swap3A_702 = tpu.vector_load %arg9[%swap3A_701] masked %lt3A_558 {strides = array<i32>} : memref<3344xi32, #tpu.memory_space<vmem>>, vector<16xi32>, vector<16xi1>
          tpu.vector_store %arg9[%swap3A_701], %sub3A_555 masked %lt3A_558 {strides = array<i32>} : memref<3344xi32, #tpu.memory_space<vmem>>, vector<16xi32>, vector<16xi1>
          %swap3A_703 = arith.index_cast %add3A_700 : i32 to index
          %swap3A_704 = tpu.vector_load %arg11[%swap3A_703] masked %lt3A_558 {strides = array<i32>} : memref<3344xf32, #tpu.memory_space<vmem>>, vector<16xf32>, vector<16xi1>
          tpu.vector_store %arg11[%swap3A_703], %get3A_553 masked %lt3A_558 {strides = array<i32>} : memref<3344xf32, #tpu.memory_space<vmem>>, vector<16xf32>, vector<16xi1>
          %add3A_705 = arith.addi %add3A_700, %squeeze3A_561 : i32
          %swap3A_706 = arith.index_cast %add3A_705 : i32 to index
          %swap3A_707 = tpu.vector_load %arg9[%swap3A_706] masked %lt3A_576 {strides = array<i32>} : memref<3344xi32, #tpu.memory_space<vmem>>, vector<16xi32>, vector<16xi1>
          tpu.vector_store %arg9[%swap3A_706], %sub3A_573 masked %lt3A_576 {strides = array<i32>} : memref<3344xi32, #tpu.memory_space<vmem>>, vector<16xi32>, vector<16xi1>
          %swap3A_708 = arith.index_cast %add3A_705 : i32 to index
          %swap3A_709 = tpu.vector_load %arg11[%swap3A_708] masked %lt3A_576 {strides = array<i32>} : memref<3344xf32, #tpu.memory_space<vmem>>, vector<16xf32>, vector<16xi1>
          tpu.vector_store %arg11[%swap3A_708], %get3A_571 masked %lt3A_576 {strides = array<i32>} : memref<3344xf32, #tpu.memory_space<vmem>>, vector<16xf32>, vector<16xi1>
          %add3A_710 = arith.addi %add3A_705, %squeeze3A_579 : i32
          %swap3A_711 = arith.index_cast %add3A_710 : i32 to index
          %swap3A_712 = tpu.vector_load %arg9[%swap3A_711] masked %lt3A_594 {strides = array<i32>} : memref<3344xi32, #tpu.memory_space<vmem>>, vector<16xi32>, vector<16xi1>
          tpu.vector_store %arg9[%swap3A_711], %sub3A_591 masked %lt3A_594 {strides = array<i32>} : memref<3344xi32, #tpu.memory_space<vmem>>, vector<16xi32>, vector<16xi1>
          %swap3A_713 = arith.index_cast %add3A_710 : i32 to index
          %swap3A_714 = tpu.vector_load %arg11[%swap3A_713] masked %lt3A_594 {strides = array<i32>} : memref<3344xf32, #tpu.memory_space<vmem>>, vector<16xf32>, vector<16xi1>
          tpu.vector_store %arg11[%swap3A_713], %get3A_589 masked %lt3A_594 {strides = array<i32>} : memref<3344xf32, #tpu.memory_space<vmem>>, vector<16xf32>, vector<16xi1>
          %add3A_715 = arith.addi %add3A_710, %squeeze3A_597 : i32
          %swap3A_716 = arith.index_cast %add3A_715 : i32 to index
          %swap3A_717 = tpu.vector_load %arg9[%swap3A_716] masked %lt3A_612 {strides = array<i32>} : memref<3344xi32, #tpu.memory_space<vmem>>, vector<16xi32>, vector<16xi1>
          tpu.vector_store %arg9[%swap3A_716], %sub3A_609 masked %lt3A_612 {strides = array<i32>} : memref<3344xi32, #tpu.memory_space<vmem>>, vector<16xi32>, vector<16xi1>
          %swap3A_718 = arith.index_cast %add3A_715 : i32 to index
          %swap3A_719 = tpu.vector_load %arg11[%swap3A_718] masked %lt3A_612 {strides = array<i32>} : memref<3344xf32, #tpu.memory_space<vmem>>, vector<16xf32>, vector<16xi1>
          tpu.vector_store %arg11[%swap3A_718], %get3A_607 masked %lt3A_612 {strides = array<i32>} : memref<3344xf32, #tpu.memory_space<vmem>>, vector<16xf32>, vector<16xi1>
          %add3A_720 = arith.addi %add3A_715, %squeeze3A_615 : i32
          %swap3A_721 = arith.index_cast %add3A_720 : i32 to index
          %swap3A_722 = tpu.vector_load %arg9[%swap3A_721] masked %lt3A_630 {strides = array<i32>} : memref<3344xi32, #tpu.memory_space<vmem>>, vector<16xi32>, vector<16xi1>
          tpu.vector_store %arg9[%swap3A_721], %sub3A_627 masked %lt3A_630 {strides = array<i32>} : memref<3344xi32, #tpu.memory_space<vmem>>, vector<16xi32>, vector<16xi1>
          %swap3A_723 = arith.index_cast %add3A_720 : i32 to index
          %swap3A_724 = tpu.vector_load %arg11[%swap3A_723] masked %lt3A_630 {strides = array<i32>} : memref<3344xf32, #tpu.memory_space<vmem>>, vector<16xf32>, vector<16xi1>
          tpu.vector_store %arg11[%swap3A_723], %get3A_625 masked %lt3A_630 {strides = array<i32>} : memref<3344xf32, #tpu.memory_space<vmem>>, vector<16xf32>, vector<16xi1>
          %add3A_725 = arith.addi %add3A_720, %squeeze3A_633 : i32
          %swap3A_726 = arith.index_cast %add3A_725 : i32 to index
          %swap3A_727 = tpu.vector_load %arg9[%swap3A_726] masked %lt3A_648 {strides = array<i32>} : memref<3344xi32, #tpu.memory_space<vmem>>, vector<16xi32>, vector<16xi1>
          tpu.vector_store %arg9[%swap3A_726], %sub3A_645 masked %lt3A_648 {strides = array<i32>} : memref<3344xi32, #tpu.memory_space<vmem>>, vector<16xi32>, vector<16xi1>
          %swap3A_728 = arith.index_cast %add3A_725 : i32 to index
          %swap3A_729 = tpu.vector_load %arg11[%swap3A_728] masked %lt3A_648 {strides = array<i32>} : memref<3344xf32, #tpu.memory_space<vmem>>, vector<16xf32>, vector<16xi1>
          tpu.vector_store %arg11[%swap3A_728], %get3A_643 masked %lt3A_648 {strides = array<i32>} : memref<3344xf32, #tpu.memory_space<vmem>>, vector<16xf32>, vector<16xi1>
          %add3A_730 = arith.addi %add3A_725, %squeeze3A_651 : i32
          scf.yield %add3A_730 : i32
        }
        %scan3A_141 = arith.constant 12 : i32
        %add3A_142 = arith.constant 2 : i32
        %add3A_143 = arith.addi %add3A_128, %add3A_142 : i32
        %ge3A = arith.constant 98 : i32
        %ge3A_144 = arith.cmpi sge, %add3A_143, %ge3A : i32
        %sub3A_145 = arith.constant 98 : i32
        %sub3A_146 = arith.subi %add3A_143, %sub3A_145 : i32
        %select_n3A_147 = arith.select %ge3A_144, %sub3A_146, %add3A_143 : i32
        %mul3A_148 = arith.constant 3072 : i32
        %mul3A_149 = arith.muli %select_n3A_147, %mul3A_148 : i32
        %add3A_150 = arith.addi %add3A, %mul3A_149 : i32
        %dma_start3A_151 = tpu.memref_slice %arg3[%add3A_150] : memref<9633792xi32, #tpu.memory_space<hbm>> -> memref<3072xi32, #tpu.memory_space<hbm>>
        %dma_start3A_152 = tpu.memref_slice %arg3[%add3A_150] : memref<9633792xi32, #tpu.memory_space<hbm>> -> memref<3072xi32, #tpu.memory_space<hbm>>
        tpu.enqueue_dma source(%dma_start3A_152 : memref<3072xi32, #tpu.memory_space<hbm>>) target(%arg5 : memref<3072xi32, #tpu.memory_space<vmem>>) target_semaphore(%arg15 : memref<!tpu.dma_semaphore, #tpu.memory_space<semaphore_mem>>)
        %dma_start3A_153 = tpu.memref_slice %arg2[%add3A_150] : memref<9633792xf32, #tpu.memory_space<hbm>> -> memref<3072xf32, #tpu.memory_space<hbm>>
        %dma_start3A_154 = tpu.memref_slice %arg2[%add3A_150] : memref<9633792xf32, #tpu.memory_space<hbm>> -> memref<3072xf32, #tpu.memory_space<hbm>>
        tpu.enqueue_dma source(%dma_start3A_154 : memref<3072xf32, #tpu.memory_space<hbm>>) target(%arg7 : memref<3072xf32, #tpu.memory_space<vmem>>) target_semaphore(%arg15 : memref<!tpu.dma_semaphore, #tpu.memory_space<semaphore_mem>>)
        %jit3A_155 = arith.constant 128 : i32
        %div3A_156 = arith.divsi %scan3A_140, %jit3A_155 : i32
        %sign3A_157 = arith.constant 0 : i32
        %sign3A_158 = arith.cmpi sgt, %scan3A_140, %sign3A_157 : i32
        %sign3A_159 = arith.extui %sign3A_158 : i1 to i32
        %sign3A_160 = arith.constant 0 : i32
        %sign3A_161 = arith.cmpi slt, %scan3A_140, %sign3A_160 : i32
        %sign3A_162 = arith.extui %sign3A_161 : i1 to i32
        %sign3A_163 = arith.subi %sign3A_159, %sign3A_162 : i32
        %sign3A_164 = arith.constant 0 : i32
        %sign3A_165 = arith.cmpi sgt, %jit3A_155, %sign3A_164 : i32
        %sign3A_166 = arith.extui %sign3A_165 : i1 to i32
        %sign3A_167 = arith.constant 0 : i32
        %sign3A_168 = arith.cmpi slt, %jit3A_155, %sign3A_167 : i32
        %sign3A_169 = arith.extui %sign3A_168 : i1 to i32
        %sign3A_170 = arith.subi %sign3A_166, %sign3A_169 : i32
        %ne3A_171 = arith.cmpi ne, %sign3A_163, %sign3A_170 : i32
        %rem3A_172 = arith.remsi %scan3A_140, %jit3A_155 : i32
        %ne3A_173 = arith.constant 0 : i32
        %ne3A_174 = arith.cmpi ne, %rem3A_172, %ne3A_173 : i32
        %and3A_175 = arith.andi %ne3A_171, %ne3A_174 : i1
        %sub3A_176 = arith.constant 1 : i32
        %sub3A_177 = arith.subi %div3A_156, %sub3A_176 : i32
        %select_n3A_178 = arith.select %and3A_175, %sub3A_177, %div3A_156 : i32
        %while3A_179 = arith.constant 0 : i32
        %while3A_180 = arith.constant 0 : i32
        %while3A_181 = arith.subi %select_n3A_178, %while3A_179 : i32
        %while3A_182 = arith.addi %while3A_179, %while3A_181 : i32
        %while3A_183 = arith.constant 1 : i32
        %while3A_184 = arith.divsi %while3A_181, %while3A_183 : i32
        %while3A_185 = arith.muli %while3A_184, %while3A_183 : i32
        %while3A_186 = arith.addi %while3A_179, %while3A_185 : i32
        %while3A_187 = arith.constant 1 : i32
        %while3A_188 = scf.for %while3A_368 = %while3A_179 to %while3A_186 step %while3A_187 iter_args(%while3A_369 = %while3A_180) -> (i32)  : i32 {
          %mul3A_370 = arith.constant 128 : i32
          %mul3A_371 = arith.muli %while3A_368, %mul3A_370 : i32
          %mul3A_372 = arith.constant 128 : i32
          %mul3A_373 = arith.muli %while3A_368, %mul3A_372 : i32
          %dma_start3A_374 = tpu.memref_slice %arg11[%mul3A_371] : memref<3344xf32, #tpu.memory_space<vmem>> -> memref<128xf32, #tpu.memory_space<vmem>>
          %dma_start3A_375 = tpu.memref_slice %arg9[%mul3A_373] : memref<3344xi32, #tpu.memory_space<vmem>> -> memref<128xi32, #tpu.memory_space<vmem>>
          %dma_start3A_376 = arith.constant 0 : i32
          %dma_start3A_377 = tpu.memref_slice %arg14[%dma_start3A_376] : memref<1605632xf32, #tpu.memory_space<vmem_shared>> -> memref<1605632xf32, #tpu.memory_space<vmem_shared>>
          tpu.enqueue_indirect_dma source(%dma_start3A_374 : memref<128xf32, #tpu.memory_space<vmem>>) target(%dma_start3A_377 : memref<1605632xf32, #tpu.memory_space<vmem_shared>>) offsets(%dma_start3A_375 : memref<128xi32, #tpu.memory_space<vmem>>) semaphore(%arg17 : memref<!tpu.dma_semaphore, #tpu.memory_space<semaphore_mem>>) {add = true}
          %while3A_378 = arith.constant 0 : i32
          scf.yield %while3A_378 : i32
        }
        %while3A_189 = arith.constant 1 : i32
        %while3A_190 = scf.for %while3A_368 = %while3A_186 to %while3A_182 step %while3A_189 iter_args(%while3A_369 = %while3A_188) -> (i32)  : i32 {
          %mul3A_370 = arith.constant 128 : i32
          %mul3A_371 = arith.muli %while3A_368, %mul3A_370 : i32
          %mul3A_372 = arith.constant 128 : i32
          %mul3A_373 = arith.muli %while3A_368, %mul3A_372 : i32
          %dma_start3A_374 = tpu.memref_slice %arg11[%mul3A_371] : memref<3344xf32, #tpu.memory_space<vmem>> -> memref<128xf32, #tpu.memory_space<vmem>>
          %dma_start3A_375 = tpu.memref_slice %arg9[%mul3A_373] : memref<3344xi32, #tpu.memory_space<vmem>> -> memref<128xi32, #tpu.memory_space<vmem>>
          %dma_start3A_376 = arith.constant 0 : i32
          %dma_start3A_377 = tpu.memref_slice %arg14[%dma_start3A_376] : memref<1605632xf32, #tpu.memory_space<vmem_shared>> -> memref<1605632xf32, #tpu.memory_space<vmem_shared>>
          tpu.enqueue_indirect_dma source(%dma_start3A_374 : memref<128xf32, #tpu.memory_space<vmem>>) target(%dma_start3A_377 : memref<1605632xf32, #tpu.memory_space<vmem_shared>>) offsets(%dma_start3A_375 : memref<128xi32, #tpu.memory_space<vmem>>) semaphore(%arg17 : memref<!tpu.dma_semaphore, #tpu.memory_space<semaphore_mem>>) {add = true}
          %while3A_378 = arith.constant 0 : i32
          scf.yield %while3A_378 : i32
        }
        %while3A_191 = arith.constant 0 : i32
        %while3A_192 = arith.constant 0 : i32
        %while3A_193 = arith.subi %scan3A_124, %while3A_191 : i32
        %while3A_194 = arith.addi %while3A_191, %while3A_193 : i32
        %while3A_195 = arith.constant 1 : i32
        %while3A_196 = arith.divsi %while3A_193, %while3A_195 : i32
        %while3A_197 = arith.muli %while3A_196, %while3A_195 : i32
        %while3A_198 = arith.addi %while3A_191, %while3A_197 : i32
        %while3A_199 = arith.constant 1 : i32
        %while3A_200 = scf.for %while3A_368 = %while3A_191 to %while3A_198 step %while3A_199 iter_args(%while3A_369 = %while3A_192) -> (i32)  : i32 {
          %dma_wait3A_370 = arith.constant 0 : i32
          %dma_wait3A_371 = tpu.memref_slice %arg12[%dma_wait3A_370] : memref<3344xf32, #tpu.memory_space<vmem>> -> memref<128xf32, #tpu.memory_space<vmem>>
          %dma_wait3A_372 = arith.constant 0 : i32
          %dma_wait3A_373 = tpu.memref_slice %arg10[%dma_wait3A_372] : memref<3344xi32, #tpu.memory_space<vmem>> -> memref<128xi32, #tpu.memory_space<vmem>>
          %dma_wait3A_374 = arith.constant 0 : i32
          %dma_wait3A_375 = tpu.memref_slice %arg14[%dma_wait3A_374] : memref<1605632xf32, #tpu.memory_space<vmem_shared>> -> memref<1605632xf32, #tpu.memory_space<vmem_shared>>
          tpu.wait_indirect_dma semaphore(%arg18 : memref<!tpu.dma_semaphore, #tpu.memory_space<semaphore_mem>>) src(%dma_wait3A_371 : memref<128xf32, #tpu.memory_space<vmem>>) dst(%dma_wait3A_375 : memref<1605632xf32, #tpu.memory_space<vmem_shared>>)
          %while3A_376 = arith.constant 0 : i32
          scf.yield %while3A_376 : i32
        }
        %while3A_201 = arith.constant 1 : i32
        %while3A_202 = scf.for %while3A_368 = %while3A_198 to %while3A_194 step %while3A_201 iter_args(%while3A_369 = %while3A_200) -> (i32)  : i32 {
          %dma_wait3A_370 = arith.constant 0 : i32
          %dma_wait3A_371 = tpu.memref_slice %arg12[%dma_wait3A_370] : memref<3344xf32, #tpu.memory_space<vmem>> -> memref<128xf32, #tpu.memory_space<vmem>>
          %dma_wait3A_372 = arith.constant 0 : i32
          %dma_wait3A_373 = tpu.memref_slice %arg10[%dma_wait3A_372] : memref<3344xi32, #tpu.memory_space<vmem>> -> memref<128xi32, #tpu.memory_space<vmem>>
          %dma_wait3A_374 = arith.constant 0 : i32
          %dma_wait3A_375 = tpu.memref_slice %arg14[%dma_wait3A_374] : memref<1605632xf32, #tpu.memory_space<vmem_shared>> -> memref<1605632xf32, #tpu.memory_space<vmem_shared>>
          tpu.wait_indirect_dma semaphore(%arg18 : memref<!tpu.dma_semaphore, #tpu.memory_space<semaphore_mem>>) src(%dma_wait3A_371 : memref<128xf32, #tpu.memory_space<vmem>>) dst(%dma_wait3A_375 : memref<1605632xf32, #tpu.memory_space<vmem_shared>>)
          %while3A_376 = arith.constant 0 : i32
          scf.yield %while3A_376 : i32
        }
        %mul3A_203 = arith.constant 128 : i32
        %mul3A_204 = arith.muli %select_n3A_178, %mul3A_203 : i32
        %sub3A_205 = arith.subi %scan3A_140, %mul3A_204 : i32
        %mul3A_206 = arith.constant 128 : i32
        %mul3A_207 = arith.muli %select_n3A_178, %mul3A_206 : i32
        %add3A_208 = arith.constant 15 : i32
        %add3A_209 = arith.addi %sub3A_205, %add3A_208 : i32
        %jit3A_210 = arith.constant 16 : i32
        %div3A_211 = arith.divsi %add3A_209, %jit3A_210 : i32
        %sign3A_212 = arith.constant 0 : i32
        %sign3A_213 = arith.cmpi sgt, %add3A_209, %sign3A_212 : i32
        %sign3A_214 = arith.extui %sign3A_213 : i1 to i32
        %sign3A_215 = arith.constant 0 : i32
        %sign3A_216 = arith.cmpi slt, %add3A_209, %sign3A_215 : i32
        %sign3A_217 = arith.extui %sign3A_216 : i1 to i32
        %sign3A_218 = arith.subi %sign3A_214, %sign3A_217 : i32
        %sign3A_219 = arith.constant 0 : i32
        %sign3A_220 = arith.cmpi sgt, %jit3A_210, %sign3A_219 : i32
        %sign3A_221 = arith.extui %sign3A_220 : i1 to i32
        %sign3A_222 = arith.constant 0 : i32
        %sign3A_223 = arith.cmpi slt, %jit3A_210, %sign3A_222 : i32
        %sign3A_224 = arith.extui %sign3A_223 : i1 to i32
        %sign3A_225 = arith.subi %sign3A_221, %sign3A_224 : i32
        %ne3A_226 = arith.cmpi ne, %sign3A_218, %sign3A_225 : i32
        %rem3A_227 = arith.remsi %add3A_209, %jit3A_210 : i32
        %ne3A_228 = arith.constant 0 : i32
        %ne3A_229 = arith.cmpi ne, %rem3A_227, %ne3A_228 : i32
        %and3A_230 = arith.andi %ne3A_226, %ne3A_229 : i1
        %sub3A_231 = arith.constant 1 : i32
        %sub3A_232 = arith.subi %div3A_211, %sub3A_231 : i32
        %select_n3A_233 = arith.select %and3A_230, %sub3A_232, %div3A_211 : i32
        %while3A_234 = arith.constant 0 : i32
        %while3A_235 = arith.constant 0 : i32
        %while3A_236 = arith.subi %select_n3A_233, %while3A_234 : i32
        %while3A_237 = arith.addi %while3A_234, %while3A_236 : i32
        %while3A_238 = arith.constant 1 : i32
        %while3A_239 = arith.divsi %while3A_236, %while3A_238 : i32
        %while3A_240 = arith.muli %while3A_239, %while3A_238 : i32
        %while3A_241 = arith.addi %while3A_234, %while3A_240 : i32
        %while3A_242 = arith.constant 1 : i32
        %while3A_243 = scf.for %while3A_368 = %while3A_234 to %while3A_241 step %while3A_242 iter_args(%while3A_369 = %while3A_235) -> (i32)  : i32 {
          %mul3A_370 = arith.constant 16 : i32
          %mul3A_371 = arith.muli %while3A_368, %mul3A_370 : i32
          %add3A_372 = arith.addi %mul3A_207, %mul3A_371 : i32
          %get3A = arith.index_cast %add3A_372 : i32 to index
          %get3A_373 = tpu.vector_load %arg9[%get3A] {strides = array<i32>} : memref<3344xi32, #tpu.memory_space<vmem>>, vector<16xi32>,
          %mul3A_374 = arith.constant 16 : i32
          %mul3A_375 = arith.muli %while3A_368, %mul3A_374 : i32
          %swap3A = arith.index_cast %mul3A_375 : i32 to index
          %swap3A_376 = tpu.vector_load %arg10[%swap3A] {strides = array<i32>} : memref<3344xi32, #tpu.memory_space<vmem>>, vector<16xi32>,
          tpu.vector_store %arg10[%swap3A], %get3A_373 {strides = array<i32>} : memref<3344xi32, #tpu.memory_space<vmem>>, vector<16xi32>,
          %mul3A_377 = arith.constant 16 : i32
          %mul3A_378 = arith.muli %while3A_368, %mul3A_377 : i32
          %add3A_379 = arith.addi %mul3A_207, %mul3A_378 : i32
          %get3A_380 = arith.index_cast %add3A_379 : i32 to index
          %get3A_381 = tpu.vector_load %arg11[%get3A_380] {strides = array<i32>} : memref<3344xf32, #tpu.memory_space<vmem>>, vector<16xf32>,
          %mul3A_382 = arith.constant 16 : i32
          %mul3A_383 = arith.muli %while3A_368, %mul3A_382 : i32
          %swap3A_384 = arith.index_cast %mul3A_383 : i32 to index
          %swap3A_385 = tpu.vector_load %arg12[%swap3A_384] {strides = array<i32>} : memref<3344xf32, #tpu.memory_space<vmem>>, vector<16xf32>,
          tpu.vector_store %arg12[%swap3A_384], %get3A_381 {strides = array<i32>} : memref<3344xf32, #tpu.memory_space<vmem>>, vector<16xf32>,
          %while3A_386 = arith.constant 0 : i32
          scf.yield %while3A_386 : i32
        }
        %while3A_244 = arith.constant 1 : i32
        %while3A_245 = scf.for %while3A_368 = %while3A_241 to %while3A_237 step %while3A_244 iter_args(%while3A_369 = %while3A_243) -> (i32)  : i32 {
          %mul3A_370 = arith.constant 16 : i32
          %mul3A_371 = arith.muli %while3A_368, %mul3A_370 : i32
          %add3A_372 = arith.addi %mul3A_207, %mul3A_371 : i32
          %get3A = arith.index_cast %add3A_372 : i32 to index
          %get3A_373 = tpu.vector_load %arg9[%get3A] {strides = array<i32>} : memref<3344xi32, #tpu.memory_space<vmem>>, vector<16xi32>,
          %mul3A_374 = arith.constant 16 : i32
          %mul3A_375 = arith.muli %while3A_368, %mul3A_374 : i32
          %swap3A = arith.index_cast %mul3A_375 : i32 to index
          %swap3A_376 = tpu.vector_load %arg10[%swap3A] {strides = array<i32>} : memref<3344xi32, #tpu.memory_space<vmem>>, vector<16xi32>,
          tpu.vector_store %arg10[%swap3A], %get3A_373 {strides = array<i32>} : memref<3344xi32, #tpu.memory_space<vmem>>, vector<16xi32>,
          %mul3A_377 = arith.constant 16 : i32
          %mul3A_378 = arith.muli %while3A_368, %mul3A_377 : i32
          %add3A_379 = arith.addi %mul3A_207, %mul3A_378 : i32
          %get3A_380 = arith.index_cast %add3A_379 : i32 to index
          %get3A_381 = tpu.vector_load %arg11[%get3A_380] {strides = array<i32>} : memref<3344xf32, #tpu.memory_space<vmem>>, vector<16xf32>,
          %mul3A_382 = arith.constant 16 : i32
          %mul3A_383 = arith.muli %while3A_368, %mul3A_382 : i32
          %swap3A_384 = arith.index_cast %mul3A_383 : i32 to index
          %swap3A_385 = tpu.vector_load %arg12[%swap3A_384] {strides = array<i32>} : memref<3344xf32, #tpu.memory_space<vmem>>, vector<16xf32>,
          tpu.vector_store %arg12[%swap3A_384], %get3A_381 {strides = array<i32>} : memref<3344xf32, #tpu.memory_space<vmem>>, vector<16xf32>,
          %while3A_386 = arith.constant 0 : i32
          scf.yield %while3A_386 : i32
        }
        %mul3A_246 = arith.constant 2 : i32
        %mul3A_247 = arith.muli %scan3A_122, %mul3A_246 : i32
        %add3A_248 = arith.constant 1 : i32
        %add3A_249 = arith.addi %mul3A_247, %add3A_248 : i32
        %mul3A_250 = arith.constant 3072 : i32
        %mul3A_251 = arith.muli %add3A_249, %mul3A_250 : i32
        %add3A_252 = arith.addi %add3A, %mul3A_251 : i32
        %dma_wait3A_253 = tpu.memref_slice %arg3[%add3A_252] : memref<9633792xi32, #tpu.memory_space<hbm>> -> memref<3072xi32, #tpu.memory_space<hbm>>
        %dma_wait3A_254 = tpu.memref_slice %arg3[%add3A_252] : memref<9633792xi32, #tpu.memory_space<hbm>> -> memref<3072xi32, #tpu.memory_space<hbm>>
        tpu.wait_dma2 semaphore(%arg16 : memref<!tpu.dma_semaphore, #tpu.memory_space<semaphore_mem>>) src(%dma_wait3A_254 : memref<3072xi32, #tpu.memory_space<hbm>>) dst(%arg6 : memref<3072xi32, #tpu.memory_space<vmem>>)
        %dma_wait3A_255 = tpu.memref_slice %arg2[%add3A_252] : memref<9633792xf32, #tpu.memory_space<hbm>> -> memref<3072xf32, #tpu.memory_space<hbm>>
        %dma_wait3A_256 = tpu.memref_slice %arg2[%add3A_252] : memref<9633792xf32, #tpu.memory_space<hbm>> -> memref<3072xf32, #tpu.memory_space<hbm>>
        tpu.wait_dma2 semaphore(%arg16 : memref<!tpu.dma_semaphore, #tpu.memory_space<semaphore_mem>>) src(%dma_wait3A_256 : memref<3072xf32, #tpu.memory_space<hbm>>) dst(%arg8 : memref<3072xf32, #tpu.memory_space<vmem>>)
        %scan3A_257 = arith.constant 0 : i32
        %scan3A_258 = arith.constant 12 : i32
        %scan3A_259 = arith.addi %scan3A_257, %scan3A_258 : i32
        %scan3A_260 = arith.constant 1 : i32
        %scan3A_261 = scf.for %scan3A_368 = %scan3A_257 to %scan3A_259 step %scan3A_260 iter_args(%scan3A_369 = %sub3A_205) -> (i32)  : i32 {
          %mul3A_370 = arith.constant 16 : i32
          %mul3A_371 = arith.muli %scan3A_368, %mul3A_370 : i32
          %add3A_372 = arith.constant 0 : i32
          %add3A_373 = arith.addi %mul3A_371, %add3A_372 : i32
          %mul3A_374 = arith.constant 16 : i32
          %mul3A_375 = arith.muli %add3A_373, %mul3A_374 : i32
          %get3A = arith.index_cast %mul3A_375 : i32 to index
          %get3A_376 = tpu.vector_load %arg6[%get3A] {strides = array<i32>} : memref<3072xi32, #tpu.memory_space<vmem>>, vector<16xi32>,
          %get3A_377 = arith.index_cast %mul3A_375 : i32 to index
          %get3A_378 = tpu.vector_load %arg8[%get3A_377] {strides = array<i32>} : memref<3072xf32, #tpu.memory_space<vmem>>, vector<16xf32>,
          %sub3A_379 = vector.broadcast %mul3A_45 : i32 to vector<16xi32>
          %sub3A_380 = arith.subi %get3A_376, %sub3A_379 : vector<16xi32>
          %bitcast_convert_type3A = tpu.bitcast %sub3A_380 : vector<16xi32> -> vector<16xi32>
          %lt3A = vector.broadcast %scan3A_23 : i32 to vector<16xi32>
          %lt3A_381 = arith.cmpi ult, %bitcast_convert_type3A, %lt3A : vector<16xi32>
          %all_reduce_population_count3A = tpu.all_reduce %lt3A_381 {dim = 0 : i64, kind = #tpu.reduction_kind<sum>} : vector<16xi1> -> vector<16xi32>
          %slice3A = vector.extract_strided_slice %all_reduce_population_count3A {offsets = [0], sizes = [1], strides = [1]} : vector<16xi32> to vector<1xi32>
          %squeeze3A = vector.extract %slice3A[0] : i32 from vector<1xi32>
          %mul3A_382 = arith.constant 16 : i32
          %mul3A_383 = arith.muli %scan3A_368, %mul3A_382 : i32
          %add3A_384 = arith.constant 1 : i32
          %add3A_385 = arith.addi %mul3A_383, %add3A_384 : i32
          %mul3A_386 = arith.constant 16 : i32
          %mul3A_387 = arith.muli %add3A_385, %mul3A_386 : i32
          %get3A_388 = arith.index_cast %mul3A_387 : i32 to index
          %get3A_389 = tpu.vector_load %arg6[%get3A_388] {strides = array<i32>} : memref<3072xi32, #tpu.memory_space<vmem>>, vector<16xi32>,
          %get3A_390 = arith.index_cast %mul3A_387 : i32 to index
          %get3A_391 = tpu.vector_load %arg8[%get3A_390] {strides = array<i32>} : memref<3072xf32, #tpu.memory_space<vmem>>, vector<16xf32>,
          %sub3A_392 = vector.broadcast %mul3A_45 : i32 to vector<16xi32>
          %sub3A_393 = arith.subi %get3A_389, %sub3A_392 : vector<16xi32>
          %bitcast_convert_type3A_394 = tpu.bitcast %sub3A_393 : vector<16xi32> -> vector<16xi32>
          %lt3A_395 = vector.broadcast %scan3A_23 : i32 to vector<16xi32>
          %lt3A_396 = arith.cmpi ult, %bitcast_convert_type3A_394, %lt3A_395 : vector<16xi32>
          %all_reduce_population_count3A_397 = tpu.all_reduce %lt3A_396 {dim = 0 : i64, kind = #tpu.reduction_kind<sum>} : vector<16xi1> -> vector<16xi32>
          %slice3A_398 = vector.extract_strided_slice %all_reduce_population_count3A_397 {offsets = [0], sizes = [1], strides = [1]} : vector<16xi32> to vector<1xi32>
          %squeeze3A_399 = vector.extract %slice3A_398[0] : i32 from vector<1xi32>
          %mul3A_400 = arith.constant 16 : i32
          %mul3A_401 = arith.muli %scan3A_368, %mul3A_400 : i32
          %add3A_402 = arith.constant 2 : i32
          %add3A_403 = arith.addi %mul3A_401, %add3A_402 : i32
          %mul3A_404 = arith.constant 16 : i32
          %mul3A_405 = arith.muli %add3A_403, %mul3A_404 : i32
          %get3A_406 = arith.index_cast %mul3A_405 : i32 to index
          %get3A_407 = tpu.vector_load %arg6[%get3A_406] {strides = array<i32>} : memref<3072xi32, #tpu.memory_space<vmem>>, vector<16xi32>,
          %get3A_408 = arith.index_cast %mul3A_405 : i32 to index
          %get3A_409 = tpu.vector_load %arg8[%get3A_408] {strides = array<i32>} : memref<3072xf32, #tpu.memory_space<vmem>>, vector<16xf32>,
          %sub3A_410 = vector.broadcast %mul3A_45 : i32 to vector<16xi32>
          %sub3A_411 = arith.subi %get3A_407, %sub3A_410 : vector<16xi32>
          %bitcast_convert_type3A_412 = tpu.bitcast %sub3A_411 : vector<16xi32> -> vector<16xi32>
          %lt3A_413 = vector.broadcast %scan3A_23 : i32 to vector<16xi32>
          %lt3A_414 = arith.cmpi ult, %bitcast_convert_type3A_412, %lt3A_413 : vector<16xi32>
          %all_reduce_population_count3A_415 = tpu.all_reduce %lt3A_414 {dim = 0 : i64, kind = #tpu.reduction_kind<sum>} : vector<16xi1> -> vector<16xi32>
          %slice3A_416 = vector.extract_strided_slice %all_reduce_population_count3A_415 {offsets = [0], sizes = [1], strides = [1]} : vector<16xi32> to vector<1xi32>
          %squeeze3A_417 = vector.extract %slice3A_416[0] : i32 from vector<1xi32>
          %mul3A_418 = arith.constant 16 : i32
          %mul3A_419 = arith.muli %scan3A_368, %mul3A_418 : i32
          %add3A_420 = arith.constant 3 : i32
          %add3A_421 = arith.addi %mul3A_419, %add3A_420 : i32
          %mul3A_422 = arith.constant 16 : i32
          %mul3A_423 = arith.muli %add3A_421, %mul3A_422 : i32
          %get3A_424 = arith.index_cast %mul3A_423 : i32 to index
          %get3A_425 = tpu.vector_load %arg6[%get3A_424] {strides = array<i32>} : memref<3072xi32, #tpu.memory_space<vmem>>, vector<16xi32>,
          %get3A_426 = arith.index_cast %mul3A_423 : i32 to index
          %get3A_427 = tpu.vector_load %arg8[%get3A_426] {strides = array<i32>} : memref<3072xf32, #tpu.memory_space<vmem>>, vector<16xf32>,
          %sub3A_428 = vector.broadcast %mul3A_45 : i32 to vector<16xi32>
          %sub3A_429 = arith.subi %get3A_425, %sub3A_428 : vector<16xi32>
          %bitcast_convert_type3A_430 = tpu.bitcast %sub3A_429 : vector<16xi32> -> vector<16xi32>
          %lt3A_431 = vector.broadcast %scan3A_23 : i32 to vector<16xi32>
          %lt3A_432 = arith.cmpi ult, %bitcast_convert_type3A_430, %lt3A_431 : vector<16xi32>
          %all_reduce_population_count3A_433 = tpu.all_reduce %lt3A_432 {dim = 0 : i64, kind = #tpu.reduction_kind<sum>} : vector<16xi1> -> vector<16xi32>
          %slice3A_434 = vector.extract_strided_slice %all_reduce_population_count3A_433 {offsets = [0], sizes = [1], strides = [1]} : vector<16xi32> to vector<1xi32>
          %squeeze3A_435 = vector.extract %slice3A_434[0] : i32 from vector<1xi32>
          %mul3A_436 = arith.constant 16 : i32
          %mul3A_437 = arith.muli %scan3A_368, %mul3A_436 : i32
          %add3A_438 = arith.constant 4 : i32
          %add3A_439 = arith.addi %mul3A_437, %add3A_438 : i32
          %mul3A_440 = arith.constant 16 : i32
          %mul3A_441 = arith.muli %add3A_439, %mul3A_440 : i32
          %get3A_442 = arith.index_cast %mul3A_441 : i32 to index
          %get3A_443 = tpu.vector_load %arg6[%get3A_442] {strides = array<i32>} : memref<3072xi32, #tpu.memory_space<vmem>>, vector<16xi32>,
          %get3A_444 = arith.index_cast %mul3A_441 : i32 to index
          %get3A_445 = tpu.vector_load %arg8[%get3A_444] {strides = array<i32>} : memref<3072xf32, #tpu.memory_space<vmem>>, vector<16xf32>,
          %sub3A_446 = vector.broadcast %mul3A_45 : i32 to vector<16xi32>
          %sub3A_447 = arith.subi %get3A_443, %sub3A_446 : vector<16xi32>
          %bitcast_convert_type3A_448 = tpu.bitcast %sub3A_447 : vector<16xi32> -> vector<16xi32>
          %lt3A_449 = vector.broadcast %scan3A_23 : i32 to vector<16xi32>
          %lt3A_450 = arith.cmpi ult, %bitcast_convert_type3A_448, %lt3A_449 : vector<16xi32>
          %all_reduce_population_count3A_451 = tpu.all_reduce %lt3A_450 {dim = 0 : i64, kind = #tpu.reduction_kind<sum>} : vector<16xi1> -> vector<16xi32>
          %slice3A_452 = vector.extract_strided_slice %all_reduce_population_count3A_451 {offsets = [0], sizes = [1], strides = [1]} : vector<16xi32> to vector<1xi32>
          %squeeze3A_453 = vector.extract %slice3A_452[0] : i32 from vector<1xi32>
          %mul3A_454 = arith.constant 16 : i32
          %mul3A_455 = arith.muli %scan3A_368, %mul3A_454 : i32
          %add3A_456 = arith.constant 5 : i32
          %add3A_457 = arith.addi %mul3A_455, %add3A_456 : i32
          %mul3A_458 = arith.constant 16 : i32
          %mul3A_459 = arith.muli %add3A_457, %mul3A_458 : i32
          %get3A_460 = arith.index_cast %mul3A_459 : i32 to index
          %get3A_461 = tpu.vector_load %arg6[%get3A_460] {strides = array<i32>} : memref<3072xi32, #tpu.memory_space<vmem>>, vector<16xi32>,
          %get3A_462 = arith.index_cast %mul3A_459 : i32 to index
          %get3A_463 = tpu.vector_load %arg8[%get3A_462] {strides = array<i32>} : memref<3072xf32, #tpu.memory_space<vmem>>, vector<16xf32>,
          %sub3A_464 = vector.broadcast %mul3A_45 : i32 to vector<16xi32>
          %sub3A_465 = arith.subi %get3A_461, %sub3A_464 : vector<16xi32>
          %bitcast_convert_type3A_466 = tpu.bitcast %sub3A_465 : vector<16xi32> -> vector<16xi32>
          %lt3A_467 = vector.broadcast %scan3A_23 : i32 to vector<16xi32>
          %lt3A_468 = arith.cmpi ult, %bitcast_convert_type3A_466, %lt3A_467 : vector<16xi32>
          %all_reduce_population_count3A_469 = tpu.all_reduce %lt3A_468 {dim = 0 : i64, kind = #tpu.reduction_kind<sum>} : vector<16xi1> -> vector<16xi32>
          %slice3A_470 = vector.extract_strided_slice %all_reduce_population_count3A_469 {offsets = [0], sizes = [1], strides = [1]} : vector<16xi32> to vector<1xi32>
          %squeeze3A_471 = vector.extract %slice3A_470[0] : i32 from vector<1xi32>
          %mul3A_472 = arith.constant 16 : i32
          %mul3A_473 = arith.muli %scan3A_368, %mul3A_472 : i32
          %add3A_474 = arith.constant 6 : i32
          %add3A_475 = arith.addi %mul3A_473, %add3A_474 : i32
          %mul3A_476 = arith.constant 16 : i32
          %mul3A_477 = arith.muli %add3A_475, %mul3A_476 : i32
          %get3A_478 = arith.index_cast %mul3A_477 : i32 to index
          %get3A_479 = tpu.vector_load %arg6[%get3A_478] {strides = array<i32>} : memref<3072xi32, #tpu.memory_space<vmem>>, vector<16xi32>,
          %get3A_480 = arith.index_cast %mul3A_477 : i32 to index
          %get3A_481 = tpu.vector_load %arg8[%get3A_480] {strides = array<i32>} : memref<3072xf32, #tpu.memory_space<vmem>>, vector<16xf32>,
          %sub3A_482 = vector.broadcast %mul3A_45 : i32 to vector<16xi32>
          %sub3A_483 = arith.subi %get3A_479, %sub3A_482 : vector<16xi32>
          %bitcast_convert_type3A_484 = tpu.bitcast %sub3A_483 : vector<16xi32> -> vector<16xi32>
          %lt3A_485 = vector.broadcast %scan3A_23 : i32 to vector<16xi32>
          %lt3A_486 = arith.cmpi ult, %bitcast_convert_type3A_484, %lt3A_485 : vector<16xi32>
          %all_reduce_population_count3A_487 = tpu.all_reduce %lt3A_486 {dim = 0 : i64, kind = #tpu.reduction_kind<sum>} : vector<16xi1> -> vector<16xi32>
          %slice3A_488 = vector.extract_strided_slice %all_reduce_population_count3A_487 {offsets = [0], sizes = [1], strides = [1]} : vector<16xi32> to vector<1xi32>
          %squeeze3A_489 = vector.extract %slice3A_488[0] : i32 from vector<1xi32>
          %mul3A_490 = arith.constant 16 : i32
          %mul3A_491 = arith.muli %scan3A_368, %mul3A_490 : i32
          %add3A_492 = arith.constant 7 : i32
          %add3A_493 = arith.addi %mul3A_491, %add3A_492 : i32
          %mul3A_494 = arith.constant 16 : i32
          %mul3A_495 = arith.muli %add3A_493, %mul3A_494 : i32
          %get3A_496 = arith.index_cast %mul3A_495 : i32 to index
          %get3A_497 = tpu.vector_load %arg6[%get3A_496] {strides = array<i32>} : memref<3072xi32, #tpu.memory_space<vmem>>, vector<16xi32>,
          %get3A_498 = arith.index_cast %mul3A_495 : i32 to index
          %get3A_499 = tpu.vector_load %arg8[%get3A_498] {strides = array<i32>} : memref<3072xf32, #tpu.memory_space<vmem>>, vector<16xf32>,
          %sub3A_500 = vector.broadcast %mul3A_45 : i32 to vector<16xi32>
          %sub3A_501 = arith.subi %get3A_497, %sub3A_500 : vector<16xi32>
          %bitcast_convert_type3A_502 = tpu.bitcast %sub3A_501 : vector<16xi32> -> vector<16xi32>
          %lt3A_503 = vector.broadcast %scan3A_23 : i32 to vector<16xi32>
          %lt3A_504 = arith.cmpi ult, %bitcast_convert_type3A_502, %lt3A_503 : vector<16xi32>
          %all_reduce_population_count3A_505 = tpu.all_reduce %lt3A_504 {dim = 0 : i64, kind = #tpu.reduction_kind<sum>} : vector<16xi1> -> vector<16xi32>
          %slice3A_506 = vector.extract_strided_slice %all_reduce_population_count3A_505 {offsets = [0], sizes = [1], strides = [1]} : vector<16xi32> to vector<1xi32>
          %squeeze3A_507 = vector.extract %slice3A_506[0] : i32 from vector<1xi32>
          %mul3A_508 = arith.constant 16 : i32
          %mul3A_509 = arith.muli %scan3A_368, %mul3A_508 : i32
          %add3A_510 = arith.constant 8 : i32
          %add3A_511 = arith.addi %mul3A_509, %add3A_510 : i32
          %mul3A_512 = arith.constant 16 : i32
          %mul3A_513 = arith.muli %add3A_511, %mul3A_512 : i32
          %get3A_514 = arith.index_cast %mul3A_513 : i32 to index
          %get3A_515 = tpu.vector_load %arg6[%get3A_514] {strides = array<i32>} : memref<3072xi32, #tpu.memory_space<vmem>>, vector<16xi32>,
          %get3A_516 = arith.index_cast %mul3A_513 : i32 to index
          %get3A_517 = tpu.vector_load %arg8[%get3A_516] {strides = array<i32>} : memref<3072xf32, #tpu.memory_space<vmem>>, vector<16xf32>,
          %sub3A_518 = vector.broadcast %mul3A_45 : i32 to vector<16xi32>
          %sub3A_519 = arith.subi %get3A_515, %sub3A_518 : vector<16xi32>
          %bitcast_convert_type3A_520 = tpu.bitcast %sub3A_519 : vector<16xi32> -> vector<16xi32>
          %lt3A_521 = vector.broadcast %scan3A_23 : i32 to vector<16xi32>
          %lt3A_522 = arith.cmpi ult, %bitcast_convert_type3A_520, %lt3A_521 : vector<16xi32>
          %all_reduce_population_count3A_523 = tpu.all_reduce %lt3A_522 {dim = 0 : i64, kind = #tpu.reduction_kind<sum>} : vector<16xi1> -> vector<16xi32>
          %slice3A_524 = vector.extract_strided_slice %all_reduce_population_count3A_523 {offsets = [0], sizes = [1], strides = [1]} : vector<16xi32> to vector<1xi32>
          %squeeze3A_525 = vector.extract %slice3A_524[0] : i32 from vector<1xi32>
          %mul3A_526 = arith.constant 16 : i32
          %mul3A_527 = arith.muli %scan3A_368, %mul3A_526 : i32
          %add3A_528 = arith.constant 9 : i32
          %add3A_529 = arith.addi %mul3A_527, %add3A_528 : i32
          %mul3A_530 = arith.constant 16 : i32
          %mul3A_531 = arith.muli %add3A_529, %mul3A_530 : i32
          %get3A_532 = arith.index_cast %mul3A_531 : i32 to index
          %get3A_533 = tpu.vector_load %arg6[%get3A_532] {strides = array<i32>} : memref<3072xi32, #tpu.memory_space<vmem>>, vector<16xi32>,
          %get3A_534 = arith.index_cast %mul3A_531 : i32 to index
          %get3A_535 = tpu.vector_load %arg8[%get3A_534] {strides = array<i32>} : memref<3072xf32, #tpu.memory_space<vmem>>, vector<16xf32>,
          %sub3A_536 = vector.broadcast %mul3A_45 : i32 to vector<16xi32>
          %sub3A_537 = arith.subi %get3A_533, %sub3A_536 : vector<16xi32>
          %bitcast_convert_type3A_538 = tpu.bitcast %sub3A_537 : vector<16xi32> -> vector<16xi32>
          %lt3A_539 = vector.broadcast %scan3A_23 : i32 to vector<16xi32>
          %lt3A_540 = arith.cmpi ult, %bitcast_convert_type3A_538, %lt3A_539 : vector<16xi32>
          %all_reduce_population_count3A_541 = tpu.all_reduce %lt3A_540 {dim = 0 : i64, kind = #tpu.reduction_kind<sum>} : vector<16xi1> -> vector<16xi32>
          %slice3A_542 = vector.extract_strided_slice %all_reduce_population_count3A_541 {offsets = [0], sizes = [1], strides = [1]} : vector<16xi32> to vector<1xi32>
          %squeeze3A_543 = vector.extract %slice3A_542[0] : i32 from vector<1xi32>
          %mul3A_544 = arith.constant 16 : i32
          %mul3A_545 = arith.muli %scan3A_368, %mul3A_544 : i32
          %add3A_546 = arith.constant 10 : i32
          %add3A_547 = arith.addi %mul3A_545, %add3A_546 : i32
          %mul3A_548 = arith.constant 16 : i32
          %mul3A_549 = arith.muli %add3A_547, %mul3A_548 : i32
          %get3A_550 = arith.index_cast %mul3A_549 : i32 to index
          %get3A_551 = tpu.vector_load %arg6[%get3A_550] {strides = array<i32>} : memref<3072xi32, #tpu.memory_space<vmem>>, vector<16xi32>,
          %get3A_552 = arith.index_cast %mul3A_549 : i32 to index
          %get3A_553 = tpu.vector_load %arg8[%get3A_552] {strides = array<i32>} : memref<3072xf32, #tpu.memory_space<vmem>>, vector<16xf32>,
          %sub3A_554 = vector.broadcast %mul3A_45 : i32 to vector<16xi32>
          %sub3A_555 = arith.subi %get3A_551, %sub3A_554 : vector<16xi32>
          %bitcast_convert_type3A_556 = tpu.bitcast %sub3A_555 : vector<16xi32> -> vector<16xi32>
          %lt3A_557 = vector.broadcast %scan3A_23 : i32 to vector<16xi32>
          %lt3A_558 = arith.cmpi ult, %bitcast_convert_type3A_556, %lt3A_557 : vector<16xi32>
          %all_reduce_population_count3A_559 = tpu.all_reduce %lt3A_558 {dim = 0 : i64, kind = #tpu.reduction_kind<sum>} : vector<16xi1> -> vector<16xi32>
          %slice3A_560 = vector.extract_strided_slice %all_reduce_population_count3A_559 {offsets = [0], sizes = [1], strides = [1]} : vector<16xi32> to vector<1xi32>
          %squeeze3A_561 = vector.extract %slice3A_560[0] : i32 from vector<1xi32>
          %mul3A_562 = arith.constant 16 : i32
          %mul3A_563 = arith.muli %scan3A_368, %mul3A_562 : i32
          %add3A_564 = arith.constant 11 : i32
          %add3A_565 = arith.addi %mul3A_563, %add3A_564 : i32
          %mul3A_566 = arith.constant 16 : i32
          %mul3A_567 = arith.muli %add3A_565, %mul3A_566 : i32
          %get3A_568 = arith.index_cast %mul3A_567 : i32 to index
          %get3A_569 = tpu.vector_load %arg6[%get3A_568] {strides = array<i32>} : memref<3072xi32, #tpu.memory_space<vmem>>, vector<16xi32>,
          %get3A_570 = arith.index_cast %mul3A_567 : i32 to index
          %get3A_571 = tpu.vector_load %arg8[%get3A_570] {strides = array<i32>} : memref<3072xf32, #tpu.memory_space<vmem>>, vector<16xf32>,
          %sub3A_572 = vector.broadcast %mul3A_45 : i32 to vector<16xi32>
          %sub3A_573 = arith.subi %get3A_569, %sub3A_572 : vector<16xi32>
          %bitcast_convert_type3A_574 = tpu.bitcast %sub3A_573 : vector<16xi32> -> vector<16xi32>
          %lt3A_575 = vector.broadcast %scan3A_23 : i32 to vector<16xi32>
          %lt3A_576 = arith.cmpi ult, %bitcast_convert_type3A_574, %lt3A_575 : vector<16xi32>
          %all_reduce_population_count3A_577 = tpu.all_reduce %lt3A_576 {dim = 0 : i64, kind = #tpu.reduction_kind<sum>} : vector<16xi1> -> vector<16xi32>
          %slice3A_578 = vector.extract_strided_slice %all_reduce_population_count3A_577 {offsets = [0], sizes = [1], strides = [1]} : vector<16xi32> to vector<1xi32>
          %squeeze3A_579 = vector.extract %slice3A_578[0] : i32 from vector<1xi32>
          %mul3A_580 = arith.constant 16 : i32
          %mul3A_581 = arith.muli %scan3A_368, %mul3A_580 : i32
          %add3A_582 = arith.constant 12 : i32
          %add3A_583 = arith.addi %mul3A_581, %add3A_582 : i32
          %mul3A_584 = arith.constant 16 : i32
          %mul3A_585 = arith.muli %add3A_583, %mul3A_584 : i32
          %get3A_586 = arith.index_cast %mul3A_585 : i32 to index
          %get3A_587 = tpu.vector_load %arg6[%get3A_586] {strides = array<i32>} : memref<3072xi32, #tpu.memory_space<vmem>>, vector<16xi32>,
          %get3A_588 = arith.index_cast %mul3A_585 : i32 to index
          %get3A_589 = tpu.vector_load %arg8[%get3A_588] {strides = array<i32>} : memref<3072xf32, #tpu.memory_space<vmem>>, vector<16xf32>,
          %sub3A_590 = vector.broadcast %mul3A_45 : i32 to vector<16xi32>
          %sub3A_591 = arith.subi %get3A_587, %sub3A_590 : vector<16xi32>
          %bitcast_convert_type3A_592 = tpu.bitcast %sub3A_591 : vector<16xi32> -> vector<16xi32>
          %lt3A_593 = vector.broadcast %scan3A_23 : i32 to vector<16xi32>
          %lt3A_594 = arith.cmpi ult, %bitcast_convert_type3A_592, %lt3A_593 : vector<16xi32>
          %all_reduce_population_count3A_595 = tpu.all_reduce %lt3A_594 {dim = 0 : i64, kind = #tpu.reduction_kind<sum>} : vector<16xi1> -> vector<16xi32>
          %slice3A_596 = vector.extract_strided_slice %all_reduce_population_count3A_595 {offsets = [0], sizes = [1], strides = [1]} : vector<16xi32> to vector<1xi32>
          %squeeze3A_597 = vector.extract %slice3A_596[0] : i32 from vector<1xi32>
          %mul3A_598 = arith.constant 16 : i32
          %mul3A_599 = arith.muli %scan3A_368, %mul3A_598 : i32
          %add3A_600 = arith.constant 13 : i32
          %add3A_601 = arith.addi %mul3A_599, %add3A_600 : i32
          %mul3A_602 = arith.constant 16 : i32
          %mul3A_603 = arith.muli %add3A_601, %mul3A_602 : i32
          %get3A_604 = arith.index_cast %mul3A_603 : i32 to index
          %get3A_605 = tpu.vector_load %arg6[%get3A_604] {strides = array<i32>} : memref<3072xi32, #tpu.memory_space<vmem>>, vector<16xi32>,
          %get3A_606 = arith.index_cast %mul3A_603 : i32 to index
          %get3A_607 = tpu.vector_load %arg8[%get3A_606] {strides = array<i32>} : memref<3072xf32, #tpu.memory_space<vmem>>, vector<16xf32>,
          %sub3A_608 = vector.broadcast %mul3A_45 : i32 to vector<16xi32>
          %sub3A_609 = arith.subi %get3A_605, %sub3A_608 : vector<16xi32>
          %bitcast_convert_type3A_610 = tpu.bitcast %sub3A_609 : vector<16xi32> -> vector<16xi32>
          %lt3A_611 = vector.broadcast %scan3A_23 : i32 to vector<16xi32>
          %lt3A_612 = arith.cmpi ult, %bitcast_convert_type3A_610, %lt3A_611 : vector<16xi32>
          %all_reduce_population_count3A_613 = tpu.all_reduce %lt3A_612 {dim = 0 : i64, kind = #tpu.reduction_kind<sum>} : vector<16xi1> -> vector<16xi32>
          %slice3A_614 = vector.extract_strided_slice %all_reduce_population_count3A_613 {offsets = [0], sizes = [1], strides = [1]} : vector<16xi32> to vector<1xi32>
          %squeeze3A_615 = vector.extract %slice3A_614[0] : i32 from vector<1xi32>
          %mul3A_616 = arith.constant 16 : i32
          %mul3A_617 = arith.muli %scan3A_368, %mul3A_616 : i32
          %add3A_618 = arith.constant 14 : i32
          %add3A_619 = arith.addi %mul3A_617, %add3A_618 : i32
          %mul3A_620 = arith.constant 16 : i32
          %mul3A_621 = arith.muli %add3A_619, %mul3A_620 : i32
          %get3A_622 = arith.index_cast %mul3A_621 : i32 to index
          %get3A_623 = tpu.vector_load %arg6[%get3A_622] {strides = array<i32>} : memref<3072xi32, #tpu.memory_space<vmem>>, vector<16xi32>,
          %get3A_624 = arith.index_cast %mul3A_621 : i32 to index
          %get3A_625 = tpu.vector_load %arg8[%get3A_624] {strides = array<i32>} : memref<3072xf32, #tpu.memory_space<vmem>>, vector<16xf32>,
          %sub3A_626 = vector.broadcast %mul3A_45 : i32 to vector<16xi32>
          %sub3A_627 = arith.subi %get3A_623, %sub3A_626 : vector<16xi32>
          %bitcast_convert_type3A_628 = tpu.bitcast %sub3A_627 : vector<16xi32> -> vector<16xi32>
          %lt3A_629 = vector.broadcast %scan3A_23 : i32 to vector<16xi32>
          %lt3A_630 = arith.cmpi ult, %bitcast_convert_type3A_628, %lt3A_629 : vector<16xi32>
          %all_reduce_population_count3A_631 = tpu.all_reduce %lt3A_630 {dim = 0 : i64, kind = #tpu.reduction_kind<sum>} : vector<16xi1> -> vector<16xi32>
          %slice3A_632 = vector.extract_strided_slice %all_reduce_population_count3A_631 {offsets = [0], sizes = [1], strides = [1]} : vector<16xi32> to vector<1xi32>
          %squeeze3A_633 = vector.extract %slice3A_632[0] : i32 from vector<1xi32>
          %mul3A_634 = arith.constant 16 : i32
          %mul3A_635 = arith.muli %scan3A_368, %mul3A_634 : i32
          %add3A_636 = arith.constant 15 : i32
          %add3A_637 = arith.addi %mul3A_635, %add3A_636 : i32
          %mul3A_638 = arith.constant 16 : i32
          %mul3A_639 = arith.muli %add3A_637, %mul3A_638 : i32
          %get3A_640 = arith.index_cast %mul3A_639 : i32 to index
          %get3A_641 = tpu.vector_load %arg6[%get3A_640] {strides = array<i32>} : memref<3072xi32, #tpu.memory_space<vmem>>, vector<16xi32>,
          %get3A_642 = arith.index_cast %mul3A_639 : i32 to index
          %get3A_643 = tpu.vector_load %arg8[%get3A_642] {strides = array<i32>} : memref<3072xf32, #tpu.memory_space<vmem>>, vector<16xf32>,
          %sub3A_644 = vector.broadcast %mul3A_45 : i32 to vector<16xi32>
          %sub3A_645 = arith.subi %get3A_641, %sub3A_644 : vector<16xi32>
          %bitcast_convert_type3A_646 = tpu.bitcast %sub3A_645 : vector<16xi32> -> vector<16xi32>
          %lt3A_647 = vector.broadcast %scan3A_23 : i32 to vector<16xi32>
          %lt3A_648 = arith.cmpi ult, %bitcast_convert_type3A_646, %lt3A_647 : vector<16xi32>
          %all_reduce_population_count3A_649 = tpu.all_reduce %lt3A_648 {dim = 0 : i64, kind = #tpu.reduction_kind<sum>} : vector<16xi1> -> vector<16xi32>
          %slice3A_650 = vector.extract_strided_slice %all_reduce_population_count3A_649 {offsets = [0], sizes = [1], strides = [1]} : vector<16xi32> to vector<1xi32>
          %squeeze3A_651 = vector.extract %slice3A_650[0] : i32 from vector<1xi32>
          %swap3A = arith.index_cast %scan3A_369 : i32 to index
          %swap3A_652 = tpu.vector_load %arg10[%swap3A] masked %lt3A_381 {strides = array<i32>} : memref<3344xi32, #tpu.memory_space<vmem>>, vector<16xi32>, vector<16xi1>
          tpu.vector_store %arg10[%swap3A], %sub3A_380 masked %lt3A_381 {strides = array<i32>} : memref<3344xi32, #tpu.memory_space<vmem>>, vector<16xi32>, vector<16xi1>
          %swap3A_653 = arith.index_cast %scan3A_369 : i32 to index
          %swap3A_654 = tpu.vector_load %arg12[%swap3A_653] masked %lt3A_381 {strides = array<i32>} : memref<3344xf32, #tpu.memory_space<vmem>>, vector<16xf32>, vector<16xi1>
          tpu.vector_store %arg12[%swap3A_653], %get3A_378 masked %lt3A_381 {strides = array<i32>} : memref<3344xf32, #tpu.memory_space<vmem>>, vector<16xf32>, vector<16xi1>
          %add3A_655 = arith.addi %scan3A_369, %squeeze3A : i32
          %swap3A_656 = arith.index_cast %add3A_655 : i32 to index
          %swap3A_657 = tpu.vector_load %arg10[%swap3A_656] masked %lt3A_396 {strides = array<i32>} : memref<3344xi32, #tpu.memory_space<vmem>>, vector<16xi32>, vector<16xi1>
          tpu.vector_store %arg10[%swap3A_656], %sub3A_393 masked %lt3A_396 {strides = array<i32>} : memref<3344xi32, #tpu.memory_space<vmem>>, vector<16xi32>, vector<16xi1>
          %swap3A_658 = arith.index_cast %add3A_655 : i32 to index
          %swap3A_659 = tpu.vector_load %arg12[%swap3A_658] masked %lt3A_396 {strides = array<i32>} : memref<3344xf32, #tpu.memory_space<vmem>>, vector<16xf32>, vector<16xi1>
          tpu.vector_store %arg12[%swap3A_658], %get3A_391 masked %lt3A_396 {strides = array<i32>} : memref<3344xf32, #tpu.memory_space<vmem>>, vector<16xf32>, vector<16xi1>
          %add3A_660 = arith.addi %add3A_655, %squeeze3A_399 : i32
          %swap3A_661 = arith.index_cast %add3A_660 : i32 to index
          %swap3A_662 = tpu.vector_load %arg10[%swap3A_661] masked %lt3A_414 {strides = array<i32>} : memref<3344xi32, #tpu.memory_space<vmem>>, vector<16xi32>, vector<16xi1>
          tpu.vector_store %arg10[%swap3A_661], %sub3A_411 masked %lt3A_414 {strides = array<i32>} : memref<3344xi32, #tpu.memory_space<vmem>>, vector<16xi32>, vector<16xi1>
          %swap3A_663 = arith.index_cast %add3A_660 : i32 to index
          %swap3A_664 = tpu.vector_load %arg12[%swap3A_663] masked %lt3A_414 {strides = array<i32>} : memref<3344xf32, #tpu.memory_space<vmem>>, vector<16xf32>, vector<16xi1>
          tpu.vector_store %arg12[%swap3A_663], %get3A_409 masked %lt3A_414 {strides = array<i32>} : memref<3344xf32, #tpu.memory_space<vmem>>, vector<16xf32>, vector<16xi1>
          %add3A_665 = arith.addi %add3A_660, %squeeze3A_417 : i32
          %swap3A_666 = arith.index_cast %add3A_665 : i32 to index
          %swap3A_667 = tpu.vector_load %arg10[%swap3A_666] masked %lt3A_432 {strides = array<i32>} : memref<3344xi32, #tpu.memory_space<vmem>>, vector<16xi32>, vector<16xi1>
          tpu.vector_store %arg10[%swap3A_666], %sub3A_429 masked %lt3A_432 {strides = array<i32>} : memref<3344xi32, #tpu.memory_space<vmem>>, vector<16xi32>, vector<16xi1>
          %swap3A_668 = arith.index_cast %add3A_665 : i32 to index
          %swap3A_669 = tpu.vector_load %arg12[%swap3A_668] masked %lt3A_432 {strides = array<i32>} : memref<3344xf32, #tpu.memory_space<vmem>>, vector<16xf32>, vector<16xi1>
          tpu.vector_store %arg12[%swap3A_668], %get3A_427 masked %lt3A_432 {strides = array<i32>} : memref<3344xf32, #tpu.memory_space<vmem>>, vector<16xf32>, vector<16xi1>
          %add3A_670 = arith.addi %add3A_665, %squeeze3A_435 : i32
          %swap3A_671 = arith.index_cast %add3A_670 : i32 to index
          %swap3A_672 = tpu.vector_load %arg10[%swap3A_671] masked %lt3A_450 {strides = array<i32>} : memref<3344xi32, #tpu.memory_space<vmem>>, vector<16xi32>, vector<16xi1>
          tpu.vector_store %arg10[%swap3A_671], %sub3A_447 masked %lt3A_450 {strides = array<i32>} : memref<3344xi32, #tpu.memory_space<vmem>>, vector<16xi32>, vector<16xi1>
          %swap3A_673 = arith.index_cast %add3A_670 : i32 to index
          %swap3A_674 = tpu.vector_load %arg12[%swap3A_673] masked %lt3A_450 {strides = array<i32>} : memref<3344xf32, #tpu.memory_space<vmem>>, vector<16xf32>, vector<16xi1>
          tpu.vector_store %arg12[%swap3A_673], %get3A_445 masked %lt3A_450 {strides = array<i32>} : memref<3344xf32, #tpu.memory_space<vmem>>, vector<16xf32>, vector<16xi1>
          %add3A_675 = arith.addi %add3A_670, %squeeze3A_453 : i32
          %swap3A_676 = arith.index_cast %add3A_675 : i32 to index
          %swap3A_677 = tpu.vector_load %arg10[%swap3A_676] masked %lt3A_468 {strides = array<i32>} : memref<3344xi32, #tpu.memory_space<vmem>>, vector<16xi32>, vector<16xi1>
          tpu.vector_store %arg10[%swap3A_676], %sub3A_465 masked %lt3A_468 {strides = array<i32>} : memref<3344xi32, #tpu.memory_space<vmem>>, vector<16xi32>, vector<16xi1>
          %swap3A_678 = arith.index_cast %add3A_675 : i32 to index
          %swap3A_679 = tpu.vector_load %arg12[%swap3A_678] masked %lt3A_468 {strides = array<i32>} : memref<3344xf32, #tpu.memory_space<vmem>>, vector<16xf32>, vector<16xi1>
          tpu.vector_store %arg12[%swap3A_678], %get3A_463 masked %lt3A_468 {strides = array<i32>} : memref<3344xf32, #tpu.memory_space<vmem>>, vector<16xf32>, vector<16xi1>
          %add3A_680 = arith.addi %add3A_675, %squeeze3A_471 : i32
          %swap3A_681 = arith.index_cast %add3A_680 : i32 to index
          %swap3A_682 = tpu.vector_load %arg10[%swap3A_681] masked %lt3A_486 {strides = array<i32>} : memref<3344xi32, #tpu.memory_space<vmem>>, vector<16xi32>, vector<16xi1>
          tpu.vector_store %arg10[%swap3A_681], %sub3A_483 masked %lt3A_486 {strides = array<i32>} : memref<3344xi32, #tpu.memory_space<vmem>>, vector<16xi32>, vector<16xi1>
          %swap3A_683 = arith.index_cast %add3A_680 : i32 to index
          %swap3A_684 = tpu.vector_load %arg12[%swap3A_683] masked %lt3A_486 {strides = array<i32>} : memref<3344xf32, #tpu.memory_space<vmem>>, vector<16xf32>, vector<16xi1>
          tpu.vector_store %arg12[%swap3A_683], %get3A_481 masked %lt3A_486 {strides = array<i32>} : memref<3344xf32, #tpu.memory_space<vmem>>, vector<16xf32>, vector<16xi1>
          %add3A_685 = arith.addi %add3A_680, %squeeze3A_489 : i32
          %swap3A_686 = arith.index_cast %add3A_685 : i32 to index
          %swap3A_687 = tpu.vector_load %arg10[%swap3A_686] masked %lt3A_504 {strides = array<i32>} : memref<3344xi32, #tpu.memory_space<vmem>>, vector<16xi32>, vector<16xi1>
          tpu.vector_store %arg10[%swap3A_686], %sub3A_501 masked %lt3A_504 {strides = array<i32>} : memref<3344xi32, #tpu.memory_space<vmem>>, vector<16xi32>, vector<16xi1>
          %swap3A_688 = arith.index_cast %add3A_685 : i32 to index
          %swap3A_689 = tpu.vector_load %arg12[%swap3A_688] masked %lt3A_504 {strides = array<i32>} : memref<3344xf32, #tpu.memory_space<vmem>>, vector<16xf32>, vector<16xi1>
          tpu.vector_store %arg12[%swap3A_688], %get3A_499 masked %lt3A_504 {strides = array<i32>} : memref<3344xf32, #tpu.memory_space<vmem>>, vector<16xf32>, vector<16xi1>
          %add3A_690 = arith.addi %add3A_685, %squeeze3A_507 : i32
          %swap3A_691 = arith.index_cast %add3A_690 : i32 to index
          %swap3A_692 = tpu.vector_load %arg10[%swap3A_691] masked %lt3A_522 {strides = array<i32>} : memref<3344xi32, #tpu.memory_space<vmem>>, vector<16xi32>, vector<16xi1>
          tpu.vector_store %arg10[%swap3A_691], %sub3A_519 masked %lt3A_522 {strides = array<i32>} : memref<3344xi32, #tpu.memory_space<vmem>>, vector<16xi32>, vector<16xi1>
          %swap3A_693 = arith.index_cast %add3A_690 : i32 to index
          %swap3A_694 = tpu.vector_load %arg12[%swap3A_693] masked %lt3A_522 {strides = array<i32>} : memref<3344xf32, #tpu.memory_space<vmem>>, vector<16xf32>, vector<16xi1>
          tpu.vector_store %arg12[%swap3A_693], %get3A_517 masked %lt3A_522 {strides = array<i32>} : memref<3344xf32, #tpu.memory_space<vmem>>, vector<16xf32>, vector<16xi1>
          %add3A_695 = arith.addi %add3A_690, %squeeze3A_525 : i32
          %swap3A_696 = arith.index_cast %add3A_695 : i32 to index
          %swap3A_697 = tpu.vector_load %arg10[%swap3A_696] masked %lt3A_540 {strides = array<i32>} : memref<3344xi32, #tpu.memory_space<vmem>>, vector<16xi32>, vector<16xi1>
          tpu.vector_store %arg10[%swap3A_696], %sub3A_537 masked %lt3A_540 {strides = array<i32>} : memref<3344xi32, #tpu.memory_space<vmem>>, vector<16xi32>, vector<16xi1>
          %swap3A_698 = arith.index_cast %add3A_695 : i32 to index
          %swap3A_699 = tpu.vector_load %arg12[%swap3A_698] masked %lt3A_540 {strides = array<i32>} : memref<3344xf32, #tpu.memory_space<vmem>>, vector<16xf32>, vector<16xi1>
          tpu.vector_store %arg12[%swap3A_698], %get3A_535 masked %lt3A_540 {strides = array<i32>} : memref<3344xf32, #tpu.memory_space<vmem>>, vector<16xf32>, vector<16xi1>
          %add3A_700 = arith.addi %add3A_695, %squeeze3A_543 : i32
          %swap3A_701 = arith.index_cast %add3A_700 : i32 to index
          %swap3A_702 = tpu.vector_load %arg10[%swap3A_701] masked %lt3A_558 {strides = array<i32>} : memref<3344xi32, #tpu.memory_space<vmem>>, vector<16xi32>, vector<16xi1>
          tpu.vector_store %arg10[%swap3A_701], %sub3A_555 masked %lt3A_558 {strides = array<i32>} : memref<3344xi32, #tpu.memory_space<vmem>>, vector<16xi32>, vector<16xi1>
          %swap3A_703 = arith.index_cast %add3A_700 : i32 to index
          %swap3A_704 = tpu.vector_load %arg12[%swap3A_703] masked %lt3A_558 {strides = array<i32>} : memref<3344xf32, #tpu.memory_space<vmem>>, vector<16xf32>, vector<16xi1>
          tpu.vector_store %arg12[%swap3A_703], %get3A_553 masked %lt3A_558 {strides = array<i32>} : memref<3344xf32, #tpu.memory_space<vmem>>, vector<16xf32>, vector<16xi1>
          %add3A_705 = arith.addi %add3A_700, %squeeze3A_561 : i32
          %swap3A_706 = arith.index_cast %add3A_705 : i32 to index
          %swap3A_707 = tpu.vector_load %arg10[%swap3A_706] masked %lt3A_576 {strides = array<i32>} : memref<3344xi32, #tpu.memory_space<vmem>>, vector<16xi32>, vector<16xi1>
          tpu.vector_store %arg10[%swap3A_706], %sub3A_573 masked %lt3A_576 {strides = array<i32>} : memref<3344xi32, #tpu.memory_space<vmem>>, vector<16xi32>, vector<16xi1>
          %swap3A_708 = arith.index_cast %add3A_705 : i32 to index
          %swap3A_709 = tpu.vector_load %arg12[%swap3A_708] masked %lt3A_576 {strides = array<i32>} : memref<3344xf32, #tpu.memory_space<vmem>>, vector<16xf32>, vector<16xi1>
          tpu.vector_store %arg12[%swap3A_708], %get3A_571 masked %lt3A_576 {strides = array<i32>} : memref<3344xf32, #tpu.memory_space<vmem>>, vector<16xf32>, vector<16xi1>
          %add3A_710 = arith.addi %add3A_705, %squeeze3A_579 : i32
          %swap3A_711 = arith.index_cast %add3A_710 : i32 to index
          %swap3A_712 = tpu.vector_load %arg10[%swap3A_711] masked %lt3A_594 {strides = array<i32>} : memref<3344xi32, #tpu.memory_space<vmem>>, vector<16xi32>, vector<16xi1>
          tpu.vector_store %arg10[%swap3A_711], %sub3A_591 masked %lt3A_594 {strides = array<i32>} : memref<3344xi32, #tpu.memory_space<vmem>>, vector<16xi32>, vector<16xi1>
          %swap3A_713 = arith.index_cast %add3A_710 : i32 to index
          %swap3A_714 = tpu.vector_load %arg12[%swap3A_713] masked %lt3A_594 {strides = array<i32>} : memref<3344xf32, #tpu.memory_space<vmem>>, vector<16xf32>, vector<16xi1>
          tpu.vector_store %arg12[%swap3A_713], %get3A_589 masked %lt3A_594 {strides = array<i32>} : memref<3344xf32, #tpu.memory_space<vmem>>, vector<16xf32>, vector<16xi1>
          %add3A_715 = arith.addi %add3A_710, %squeeze3A_597 : i32
          %swap3A_716 = arith.index_cast %add3A_715 : i32 to index
          %swap3A_717 = tpu.vector_load %arg10[%swap3A_716] masked %lt3A_612 {strides = array<i32>} : memref<3344xi32, #tpu.memory_space<vmem>>, vector<16xi32>, vector<16xi1>
          tpu.vector_store %arg10[%swap3A_716], %sub3A_609 masked %lt3A_612 {strides = array<i32>} : memref<3344xi32, #tpu.memory_space<vmem>>, vector<16xi32>, vector<16xi1>
          %swap3A_718 = arith.index_cast %add3A_715 : i32 to index
          %swap3A_719 = tpu.vector_load %arg12[%swap3A_718] masked %lt3A_612 {strides = array<i32>} : memref<3344xf32, #tpu.memory_space<vmem>>, vector<16xf32>, vector<16xi1>
          tpu.vector_store %arg12[%swap3A_718], %get3A_607 masked %lt3A_612 {strides = array<i32>} : memref<3344xf32, #tpu.memory_space<vmem>>, vector<16xf32>, vector<16xi1>
          %add3A_720 = arith.addi %add3A_715, %squeeze3A_615 : i32
          %swap3A_721 = arith.index_cast %add3A_720 : i32 to index
          %swap3A_722 = tpu.vector_load %arg10[%swap3A_721] masked %lt3A_630 {strides = array<i32>} : memref<3344xi32, #tpu.memory_space<vmem>>, vector<16xi32>, vector<16xi1>
          tpu.vector_store %arg10[%swap3A_721], %sub3A_627 masked %lt3A_630 {strides = array<i32>} : memref<3344xi32, #tpu.memory_space<vmem>>, vector<16xi32>, vector<16xi1>
          %swap3A_723 = arith.index_cast %add3A_720 : i32 to index
          %swap3A_724 = tpu.vector_load %arg12[%swap3A_723] masked %lt3A_630 {strides = array<i32>} : memref<3344xf32, #tpu.memory_space<vmem>>, vector<16xf32>, vector<16xi1>
          tpu.vector_store %arg12[%swap3A_723], %get3A_625 masked %lt3A_630 {strides = array<i32>} : memref<3344xf32, #tpu.memory_space<vmem>>, vector<16xf32>, vector<16xi1>
          %add3A_725 = arith.addi %add3A_720, %squeeze3A_633 : i32
          %swap3A_726 = arith.index_cast %add3A_725 : i32 to index
          %swap3A_727 = tpu.vector_load %arg10[%swap3A_726] masked %lt3A_648 {strides = array<i32>} : memref<3344xi32, #tpu.memory_space<vmem>>, vector<16xi32>, vector<16xi1>
          tpu.vector_store %arg10[%swap3A_726], %sub3A_645 masked %lt3A_648 {strides = array<i32>} : memref<3344xi32, #tpu.memory_space<vmem>>, vector<16xi32>, vector<16xi1>
          %swap3A_728 = arith.index_cast %add3A_725 : i32 to index
          %swap3A_729 = tpu.vector_load %arg12[%swap3A_728] masked %lt3A_648 {strides = array<i32>} : memref<3344xf32, #tpu.memory_space<vmem>>, vector<16xf32>, vector<16xi1>
          tpu.vector_store %arg12[%swap3A_728], %get3A_643 masked %lt3A_648 {strides = array<i32>} : memref<3344xf32, #tpu.memory_space<vmem>>, vector<16xf32>, vector<16xi1>
          %add3A_730 = arith.addi %add3A_725, %squeeze3A_651 : i32
          scf.yield %add3A_730 : i32
        }
        %scan3A_262 = arith.constant 12 : i32
        %add3A_263 = arith.constant 2 : i32
        %add3A_264 = arith.addi %add3A_249, %add3A_263 : i32
        %ge3A_265 = arith.constant 98 : i32
        %ge3A_266 = arith.cmpi sge, %add3A_264, %ge3A_265 : i32
        %sub3A_267 = arith.constant 98 : i32
        %sub3A_268 = arith.subi %add3A_264, %sub3A_267 : i32
        %select_n3A_269 = arith.select %ge3A_266, %sub3A_268, %add3A_264 : i32
        %mul3A_270 = arith.constant 3072 : i32
        %mul3A_271 = arith.muli %select_n3A_269, %mul3A_270 : i32
        %add3A_272 = arith.addi %add3A, %mul3A_271 : i32
        %dma_start3A_273 = tpu.memref_slice %arg3[%add3A_272] : memref<9633792xi32, #tpu.memory_space<hbm>> -> memref<3072xi32, #tpu.memory_space<hbm>>
        %dma_start3A_274 = tpu.memref_slice %arg3[%add3A_272] : memref<9633792xi32, #tpu.memory_space<hbm>> -> memref<3072xi32, #tpu.memory_space<hbm>>
        tpu.enqueue_dma source(%dma_start3A_274 : memref<3072xi32, #tpu.memory_space<hbm>>) target(%arg6 : memref<3072xi32, #tpu.memory_space<vmem>>) target_semaphore(%arg16 : memref<!tpu.dma_semaphore, #tpu.memory_space<semaphore_mem>>)
        %dma_start3A_275 = tpu.memref_slice %arg2[%add3A_272] : memref<9633792xf32, #tpu.memory_space<hbm>> -> memref<3072xf32, #tpu.memory_space<hbm>>
        %dma_start3A_276 = tpu.memref_slice %arg2[%add3A_272] : memref<9633792xf32, #tpu.memory_space<hbm>> -> memref<3072xf32, #tpu.memory_space<hbm>>
        tpu.enqueue_dma source(%dma_start3A_276 : memref<3072xf32, #tpu.memory_space<hbm>>) target(%arg8 : memref<3072xf32, #tpu.memory_space<vmem>>) target_semaphore(%arg16 : memref<!tpu.dma_semaphore, #tpu.memory_space<semaphore_mem>>)
        %jit3A_277 = arith.constant 128 : i32
        %div3A_278 = arith.divsi %scan3A_261, %jit3A_277 : i32
        %sign3A_279 = arith.constant 0 : i32
        %sign3A_280 = arith.cmpi sgt, %scan3A_261, %sign3A_279 : i32
        %sign3A_281 = arith.extui %sign3A_280 : i1 to i32
        %sign3A_282 = arith.constant 0 : i32
        %sign3A_283 = arith.cmpi slt, %scan3A_261, %sign3A_282 : i32
        %sign3A_284 = arith.extui %sign3A_283 : i1 to i32
        %sign3A_285 = arith.subi %sign3A_281, %sign3A_284 : i32
        %sign3A_286 = arith.constant 0 : i32
        %sign3A_287 = arith.cmpi sgt, %jit3A_277, %sign3A_286 : i32
        %sign3A_288 = arith.extui %sign3A_287 : i1 to i32
        %sign3A_289 = arith.constant 0 : i32
        %sign3A_290 = arith.cmpi slt, %jit3A_277, %sign3A_289 : i32
        %sign3A_291 = arith.extui %sign3A_290 : i1 to i32
        %sign3A_292 = arith.subi %sign3A_288, %sign3A_291 : i32
        %ne3A_293 = arith.cmpi ne, %sign3A_285, %sign3A_292 : i32
        %rem3A_294 = arith.remsi %scan3A_261, %jit3A_277 : i32
        %ne3A_295 = arith.constant 0 : i32
        %ne3A_296 = arith.cmpi ne, %rem3A_294, %ne3A_295 : i32
        %and3A_297 = arith.andi %ne3A_293, %ne3A_296 : i1
        %sub3A_298 = arith.constant 1 : i32
        %sub3A_299 = arith.subi %div3A_278, %sub3A_298 : i32
        %select_n3A_300 = arith.select %and3A_297, %sub3A_299, %div3A_278 : i32
        %while3A_301 = arith.constant 0 : i32
        %while3A_302 = arith.constant 0 : i32
        %while3A_303 = arith.subi %select_n3A_300, %while3A_301 : i32
        %while3A_304 = arith.addi %while3A_301, %while3A_303 : i32
        %while3A_305 = arith.constant 1 : i32
        %while3A_306 = arith.divsi %while3A_303, %while3A_305 : i32
        %while3A_307 = arith.muli %while3A_306, %while3A_305 : i32
        %while3A_308 = arith.addi %while3A_301, %while3A_307 : i32
        %while3A_309 = arith.constant 1 : i32
        %while3A_310 = scf.for %while3A_368 = %while3A_301 to %while3A_308 step %while3A_309 iter_args(%while3A_369 = %while3A_302) -> (i32)  : i32 {
          %mul3A_370 = arith.constant 128 : i32
          %mul3A_371 = arith.muli %while3A_368, %mul3A_370 : i32
          %mul3A_372 = arith.constant 128 : i32
          %mul3A_373 = arith.muli %while3A_368, %mul3A_372 : i32
          %dma_start3A_374 = tpu.memref_slice %arg12[%mul3A_371] : memref<3344xf32, #tpu.memory_space<vmem>> -> memref<128xf32, #tpu.memory_space<vmem>>
          %dma_start3A_375 = tpu.memref_slice %arg10[%mul3A_373] : memref<3344xi32, #tpu.memory_space<vmem>> -> memref<128xi32, #tpu.memory_space<vmem>>
          %dma_start3A_376 = arith.constant 0 : i32
          %dma_start3A_377 = tpu.memref_slice %arg14[%dma_start3A_376] : memref<1605632xf32, #tpu.memory_space<vmem_shared>> -> memref<1605632xf32, #tpu.memory_space<vmem_shared>>
          tpu.enqueue_indirect_dma source(%dma_start3A_374 : memref<128xf32, #tpu.memory_space<vmem>>) target(%dma_start3A_377 : memref<1605632xf32, #tpu.memory_space<vmem_shared>>) offsets(%dma_start3A_375 : memref<128xi32, #tpu.memory_space<vmem>>) semaphore(%arg18 : memref<!tpu.dma_semaphore, #tpu.memory_space<semaphore_mem>>) {add = true}
          %while3A_378 = arith.constant 0 : i32
          scf.yield %while3A_378 : i32
        }
        %while3A_311 = arith.constant 1 : i32
        %while3A_312 = scf.for %while3A_368 = %while3A_308 to %while3A_304 step %while3A_311 iter_args(%while3A_369 = %while3A_310) -> (i32)  : i32 {
          %mul3A_370 = arith.constant 128 : i32
          %mul3A_371 = arith.muli %while3A_368, %mul3A_370 : i32
          %mul3A_372 = arith.constant 128 : i32
          %mul3A_373 = arith.muli %while3A_368, %mul3A_372 : i32
          %dma_start3A_374 = tpu.memref_slice %arg12[%mul3A_371] : memref<3344xf32, #tpu.memory_space<vmem>> -> memref<128xf32, #tpu.memory_space<vmem>>
          %dma_start3A_375 = tpu.memref_slice %arg10[%mul3A_373] : memref<3344xi32, #tpu.memory_space<vmem>> -> memref<128xi32, #tpu.memory_space<vmem>>
          %dma_start3A_376 = arith.constant 0 : i32
          %dma_start3A_377 = tpu.memref_slice %arg14[%dma_start3A_376] : memref<1605632xf32, #tpu.memory_space<vmem_shared>> -> memref<1605632xf32, #tpu.memory_space<vmem_shared>>
          tpu.enqueue_indirect_dma source(%dma_start3A_374 : memref<128xf32, #tpu.memory_space<vmem>>) target(%dma_start3A_377 : memref<1605632xf32, #tpu.memory_space<vmem_shared>>) offsets(%dma_start3A_375 : memref<128xi32, #tpu.memory_space<vmem>>) semaphore(%arg18 : memref<!tpu.dma_semaphore, #tpu.memory_space<semaphore_mem>>) {add = true}
          %while3A_378 = arith.constant 0 : i32
          scf.yield %while3A_378 : i32
        }
        %while3A_313 = arith.constant 0 : i32
        %while3A_314 = arith.constant 0 : i32
        %while3A_315 = arith.subi %select_n3A_178, %while3A_313 : i32
        %while3A_316 = arith.addi %while3A_313, %while3A_315 : i32
        %while3A_317 = arith.constant 1 : i32
        %while3A_318 = arith.divsi %while3A_315, %while3A_317 : i32
        %while3A_319 = arith.muli %while3A_318, %while3A_317 : i32
        %while3A_320 = arith.addi %while3A_313, %while3A_319 : i32
        %while3A_321 = arith.constant 1 : i32
        %while3A_322 = scf.for %while3A_368 = %while3A_313 to %while3A_320 step %while3A_321 iter_args(%while3A_369 = %while3A_314) -> (i32)  : i32 {
          %dma_wait3A_370 = arith.constant 0 : i32
          %dma_wait3A_371 = tpu.memref_slice %arg11[%dma_wait3A_370] : memref<3344xf32, #tpu.memory_space<vmem>> -> memref<128xf32, #tpu.memory_space<vmem>>
          %dma_wait3A_372 = arith.constant 0 : i32
          %dma_wait3A_373 = tpu.memref_slice %arg9[%dma_wait3A_372] : memref<3344xi32, #tpu.memory_space<vmem>> -> memref<128xi32, #tpu.memory_space<vmem>>
          %dma_wait3A_374 = arith.constant 0 : i32
          %dma_wait3A_375 = tpu.memref_slice %arg14[%dma_wait3A_374] : memref<1605632xf32, #tpu.memory_space<vmem_shared>> -> memref<1605632xf32, #tpu.memory_space<vmem_shared>>
          tpu.wait_indirect_dma semaphore(%arg17 : memref<!tpu.dma_semaphore, #tpu.memory_space<semaphore_mem>>) src(%dma_wait3A_371 : memref<128xf32, #tpu.memory_space<vmem>>) dst(%dma_wait3A_375 : memref<1605632xf32, #tpu.memory_space<vmem_shared>>)
          %while3A_376 = arith.constant 0 : i32
          scf.yield %while3A_376 : i32
        }
        %while3A_323 = arith.constant 1 : i32
        %while3A_324 = scf.for %while3A_368 = %while3A_320 to %while3A_316 step %while3A_323 iter_args(%while3A_369 = %while3A_322) -> (i32)  : i32 {
          %dma_wait3A_370 = arith.constant 0 : i32
          %dma_wait3A_371 = tpu.memref_slice %arg11[%dma_wait3A_370] : memref<3344xf32, #tpu.memory_space<vmem>> -> memref<128xf32, #tpu.memory_space<vmem>>
          %dma_wait3A_372 = arith.constant 0 : i32
          %dma_wait3A_373 = tpu.memref_slice %arg9[%dma_wait3A_372] : memref<3344xi32, #tpu.memory_space<vmem>> -> memref<128xi32, #tpu.memory_space<vmem>>
          %dma_wait3A_374 = arith.constant 0 : i32
          %dma_wait3A_375 = tpu.memref_slice %arg14[%dma_wait3A_374] : memref<1605632xf32, #tpu.memory_space<vmem_shared>> -> memref<1605632xf32, #tpu.memory_space<vmem_shared>>
          tpu.wait_indirect_dma semaphore(%arg17 : memref<!tpu.dma_semaphore, #tpu.memory_space<semaphore_mem>>) src(%dma_wait3A_371 : memref<128xf32, #tpu.memory_space<vmem>>) dst(%dma_wait3A_375 : memref<1605632xf32, #tpu.memory_space<vmem_shared>>)
          %while3A_376 = arith.constant 0 : i32
          scf.yield %while3A_376 : i32
        }
        %mul3A_325 = arith.constant 128 : i32
        %mul3A_326 = arith.muli %select_n3A_300, %mul3A_325 : i32
        %sub3A_327 = arith.subi %scan3A_261, %mul3A_326 : i32
        %mul3A_328 = arith.constant 128 : i32
        %mul3A_329 = arith.muli %select_n3A_300, %mul3A_328 : i32
        %add3A_330 = arith.constant 15 : i32
        %add3A_331 = arith.addi %sub3A_327, %add3A_330 : i32
        %jit3A_332 = arith.constant 16 : i32
        %div3A_333 = arith.divsi %add3A_331, %jit3A_332 : i32
        %sign3A_334 = arith.constant 0 : i32
        %sign3A_335 = arith.cmpi sgt, %add3A_331, %sign3A_334 : i32
        %sign3A_336 = arith.extui %sign3A_335 : i1 to i32
        %sign3A_337 = arith.constant 0 : i32
        %sign3A_338 = arith.cmpi slt, %add3A_331, %sign3A_337 : i32
        %sign3A_339 = arith.extui %sign3A_338 : i1 to i32
        %sign3A_340 = arith.subi %sign3A_336, %sign3A_339 : i32
        %sign3A_341 = arith.constant 0 : i32
        %sign3A_342 = arith.cmpi sgt, %jit3A_332, %sign3A_341 : i32
        %sign3A_343 = arith.extui %sign3A_342 : i1 to i32
        %sign3A_344 = arith.constant 0 : i32
        %sign3A_345 = arith.cmpi slt, %jit3A_332, %sign3A_344 : i32
        %sign3A_346 = arith.extui %sign3A_345 : i1 to i32
        %sign3A_347 = arith.subi %sign3A_343, %sign3A_346 : i32
        %ne3A_348 = arith.cmpi ne, %sign3A_340, %sign3A_347 : i32
        %rem3A_349 = arith.remsi %add3A_331, %jit3A_332 : i32
        %ne3A_350 = arith.constant 0 : i32
        %ne3A_351 = arith.cmpi ne, %rem3A_349, %ne3A_350 : i32
        %and3A_352 = arith.andi %ne3A_348, %ne3A_351 : i1
        %sub3A_353 = arith.constant 1 : i32
        %sub3A_354 = arith.subi %div3A_333, %sub3A_353 : i32
        %select_n3A_355 = arith.select %and3A_352, %sub3A_354, %div3A_333 : i32
        %while3A_356 = arith.constant 0 : i32
        %while3A_357 = arith.constant 0 : i32
        %while3A_358 = arith.subi %select_n3A_355, %while3A_356 : i32
        %while3A_359 = arith.addi %while3A_356, %while3A_358 : i32
        %while3A_360 = arith.constant 1 : i32
        %while3A_361 = arith.divsi %while3A_358, %while3A_360 : i32
        %while3A_362 = arith.muli %while3A_361, %while3A_360 : i32
        %while3A_363 = arith.addi %while3A_356, %while3A_362 : i32
        %while3A_364 = arith.constant 1 : i32
        %while3A_365 = scf.for %while3A_368 = %while3A_356 to %while3A_363 step %while3A_364 iter_args(%while3A_369 = %while3A_357) -> (i32)  : i32 {
          %mul3A_370 = arith.constant 16 : i32
          %mul3A_371 = arith.muli %while3A_368, %mul3A_370 : i32
          %add3A_372 = arith.addi %mul3A_329, %mul3A_371 : i32
          %get3A = arith.index_cast %add3A_372 : i32 to index
          %get3A_373 = tpu.vector_load %arg10[%get3A] {strides = array<i32>} : memref<3344xi32, #tpu.memory_space<vmem>>, vector<16xi32>,
          %mul3A_374 = arith.constant 16 : i32
          %mul3A_375 = arith.muli %while3A_368, %mul3A_374 : i32
          %swap3A = arith.index_cast %mul3A_375 : i32 to index
          %swap3A_376 = tpu.vector_load %arg9[%swap3A] {strides = array<i32>} : memref<3344xi32, #tpu.memory_space<vmem>>, vector<16xi32>,
          tpu.vector_store %arg9[%swap3A], %get3A_373 {strides = array<i32>} : memref<3344xi32, #tpu.memory_space<vmem>>, vector<16xi32>,
          %mul3A_377 = arith.constant 16 : i32
          %mul3A_378 = arith.muli %while3A_368, %mul3A_377 : i32
          %add3A_379 = arith.addi %mul3A_329, %mul3A_378 : i32
          %get3A_380 = arith.index_cast %add3A_379 : i32 to index
          %get3A_381 = tpu.vector_load %arg12[%get3A_380] {strides = array<i32>} : memref<3344xf32, #tpu.memory_space<vmem>>, vector<16xf32>,
          %mul3A_382 = arith.constant 16 : i32
          %mul3A_383 = arith.muli %while3A_368, %mul3A_382 : i32
          %swap3A_384 = arith.index_cast %mul3A_383 : i32 to index
          %swap3A_385 = tpu.vector_load %arg11[%swap3A_384] {strides = array<i32>} : memref<3344xf32, #tpu.memory_space<vmem>>, vector<16xf32>,
          tpu.vector_store %arg11[%swap3A_384], %get3A_381 {strides = array<i32>} : memref<3344xf32, #tpu.memory_space<vmem>>, vector<16xf32>,
          %while3A_386 = arith.constant 0 : i32
          scf.yield %while3A_386 : i32
        }
        %while3A_366 = arith.constant 1 : i32
        %while3A_367 = scf.for %while3A_368 = %while3A_363 to %while3A_359 step %while3A_366 iter_args(%while3A_369 = %while3A_365) -> (i32)  : i32 {
          %mul3A_370 = arith.constant 16 : i32
          %mul3A_371 = arith.muli %while3A_368, %mul3A_370 : i32
          %add3A_372 = arith.addi %mul3A_329, %mul3A_371 : i32
          %get3A = arith.index_cast %add3A_372 : i32 to index
          %get3A_373 = tpu.vector_load %arg10[%get3A] {strides = array<i32>} : memref<3344xi32, #tpu.memory_space<vmem>>, vector<16xi32>,
          %mul3A_374 = arith.constant 16 : i32
          %mul3A_375 = arith.muli %while3A_368, %mul3A_374 : i32
          %swap3A = arith.index_cast %mul3A_375 : i32 to index
          %swap3A_376 = tpu.vector_load %arg9[%swap3A] {strides = array<i32>} : memref<3344xi32, #tpu.memory_space<vmem>>, vector<16xi32>,
          tpu.vector_store %arg9[%swap3A], %get3A_373 {strides = array<i32>} : memref<3344xi32, #tpu.memory_space<vmem>>, vector<16xi32>,
          %mul3A_377 = arith.constant 16 : i32
          %mul3A_378 = arith.muli %while3A_368, %mul3A_377 : i32
          %add3A_379 = arith.addi %mul3A_329, %mul3A_378 : i32
          %get3A_380 = arith.index_cast %add3A_379 : i32 to index
          %get3A_381 = tpu.vector_load %arg12[%get3A_380] {strides = array<i32>} : memref<3344xf32, #tpu.memory_space<vmem>>, vector<16xf32>,
          %mul3A_382 = arith.constant 16 : i32
          %mul3A_383 = arith.muli %while3A_368, %mul3A_382 : i32
          %swap3A_384 = arith.index_cast %mul3A_383 : i32 to index
          %swap3A_385 = tpu.vector_load %arg11[%swap3A_384] {strides = array<i32>} : memref<3344xf32, #tpu.memory_space<vmem>>, vector<16xf32>,
          tpu.vector_store %arg11[%swap3A_384], %get3A_381 {strides = array<i32>} : memref<3344xf32, #tpu.memory_space<vmem>>, vector<16xf32>,
          %while3A_386 = arith.constant 0 : i32
          scf.yield %while3A_386 : i32
        }
        scf.yield %sub3A_327, %select_n3A_300 : i32, i32
      }
      %scan3A_60 = arith.constant 49 : i32
      %scan3A_61 = arith.constant 0 : i32
      %scan3A_62 = arith.constant 0 : i32
      %scan3A_63 = arith.constant 8 : i32
      %scan3A_64 = arith.addi %scan3A_62, %scan3A_63 : i32
      %scan3A_65 = arith.constant 1 : i32
      %scan3A_66 = scf.for %scan3A_122 = %scan3A_62 to %scan3A_64 step %scan3A_65 iter_args(%scan3A_123 = %scan3A_61) -> (i32)  : i32 {
        %mul3A_124 = arith.constant 16 : i32
        %mul3A_125 = arith.muli %scan3A_122, %mul3A_124 : i32
        %add3A_126 = arith.addi %scan3A_59#0, %mul3A_125 : i32
        %swap3A = arith.index_cast %add3A_126 : i32 to index
        %swap3A_127 = tpu.vector_load %arg9[%swap3A] {strides = array<i32>} : memref<3344xi32, #tpu.memory_space<vmem>>, vector<16xi32>,
        tpu.vector_store %arg9[%swap3A], %broadcast_in_dim3A_5 {strides = array<i32>} : memref<3344xi32, #tpu.memory_space<vmem>>, vector<16xi32>,
        %mul3A_128 = arith.constant 16 : i32
        %mul3A_129 = arith.muli %scan3A_122, %mul3A_128 : i32
        %add3A_130 = arith.addi %scan3A_59#0, %mul3A_129 : i32
        %swap3A_131 = arith.index_cast %add3A_130 : i32 to index
        %swap3A_132 = tpu.vector_load %arg11[%swap3A_131] {strides = array<i32>} : memref<3344xf32, #tpu.memory_space<vmem>>, vector<16xf32>,
        tpu.vector_store %arg11[%swap3A_131], %broadcast_in_dim3A_3 {strides = array<i32>} : memref<3344xf32, #tpu.memory_space<vmem>>, vector<16xf32>,
        %scan3A_133 = arith.constant 0 : i32
        scf.yield %scan3A_133 : i32
      }
      %scan3A_67 = arith.constant 8 : i32
      %add3A_68 = arith.constant 128 : i32
      %add3A_69 = arith.addi %scan3A_59#0, %add3A_68 : i32
      %sub3A = arith.constant 1 : i32
      %sub3A_70 = arith.subi %add3A_69, %sub3A : i32
      %jit3A = arith.constant 128 : i32
      %div3A = arith.divsi %sub3A_70, %jit3A : i32
      %sign3A = arith.constant 0 : i32
      %sign3A_71 = arith.cmpi sgt, %sub3A_70, %sign3A : i32
      %sign3A_72 = arith.extui %sign3A_71 : i1 to i32
      %sign3A_73 = arith.constant 0 : i32
      %sign3A_74 = arith.cmpi slt, %sub3A_70, %sign3A_73 : i32
      %sign3A_75 = arith.extui %sign3A_74 : i1 to i32
      %sign3A_76 = arith.subi %sign3A_72, %sign3A_75 : i32
      %sign3A_77 = arith.constant 0 : i32
      %sign3A_78 = arith.cmpi sgt, %jit3A, %sign3A_77 : i32
      %sign3A_79 = arith.extui %sign3A_78 : i1 to i32
      %sign3A_80 = arith.constant 0 : i32
      %sign3A_81 = arith.cmpi slt, %jit3A, %sign3A_80 : i32
      %sign3A_82 = arith.extui %sign3A_81 : i1 to i32
      %sign3A_83 = arith.subi %sign3A_79, %sign3A_82 : i32
      %ne3A = arith.cmpi ne, %sign3A_76, %sign3A_83 : i32
      %rem3A = arith.remsi %sub3A_70, %jit3A : i32
      %ne3A_84 = arith.constant 0 : i32
      %ne3A_85 = arith.cmpi ne, %rem3A, %ne3A_84 : i32
      %and3A = arith.andi %ne3A, %ne3A_85 : i1
      %sub3A_86 = arith.constant 1 : i32
      %sub3A_87 = arith.subi %div3A, %sub3A_86 : i32
      %select_n3A = arith.select %and3A, %sub3A_87, %div3A : i32
      %while3A = arith.constant 0 : i32
      %while3A_88 = arith.constant 0 : i32
      %while3A_89 = arith.subi %select_n3A, %while3A : i32
      %while3A_90 = arith.addi %while3A, %while3A_89 : i32
      %while3A_91 = arith.constant 1 : i32
      %while3A_92 = arith.divsi %while3A_89, %while3A_91 : i32
      %while3A_93 = arith.muli %while3A_92, %while3A_91 : i32
      %while3A_94 = arith.addi %while3A, %while3A_93 : i32
      %while3A_95 = arith.constant 1 : i32
      %while3A_96 = scf.for %while3A_122 = %while3A to %while3A_94 step %while3A_95 iter_args(%while3A_123 = %while3A_88) -> (i32)  : i32 {
        %mul3A_124 = arith.constant 128 : i32
        %mul3A_125 = arith.muli %while3A_122, %mul3A_124 : i32
        %mul3A_126 = arith.constant 128 : i32
        %mul3A_127 = arith.muli %while3A_122, %mul3A_126 : i32
        "tpu.region"() ({
          %run_scoped3A = tpu.sem_alloc : memref<!tpu.dma_semaphore, #tpu.memory_space<semaphore_mem>>
          %dma_start3A_129 = tpu.memref_slice %arg11[%mul3A_125] : memref<3344xf32, #tpu.memory_space<vmem>> -> memref<128xf32, #tpu.memory_space<vmem>>
          %dma_start3A_130 = tpu.memref_slice %arg9[%mul3A_127] : memref<3344xi32, #tpu.memory_space<vmem>> -> memref<128xi32, #tpu.memory_space<vmem>>
          %dma_start3A_131 = arith.constant 0 : i32
          %dma_start3A_132 = tpu.memref_slice %arg14[%dma_start3A_131] : memref<1605632xf32, #tpu.memory_space<vmem_shared>> -> memref<1605632xf32, #tpu.memory_space<vmem_shared>>
          tpu.enqueue_indirect_dma source(%dma_start3A_129 : memref<128xf32, #tpu.memory_space<vmem>>) target(%dma_start3A_132 : memref<1605632xf32, #tpu.memory_space<vmem_shared>>) offsets(%dma_start3A_130 : memref<128xi32, #tpu.memory_space<vmem>>) semaphore(%run_scoped3A : memref<!tpu.dma_semaphore, #tpu.memory_space<semaphore_mem>>) {add = true}
          %dma_wait3A_133 = tpu.memref_slice %arg11[%mul3A_125] : memref<3344xf32, #tpu.memory_space<vmem>> -> memref<128xf32, #tpu.memory_space<vmem>>
          %dma_wait3A_134 = tpu.memref_slice %arg9[%mul3A_127] : memref<3344xi32, #tpu.memory_space<vmem>> -> memref<128xi32, #tpu.memory_space<vmem>>
          %dma_wait3A_135 = arith.constant 0 : i32
          %dma_wait3A_136 = tpu.memref_slice %arg14[%dma_wait3A_135] : memref<1605632xf32, #tpu.memory_space<vmem_shared>> -> memref<1605632xf32, #tpu.memory_space<vmem_shared>>
          tpu.wait_indirect_dma semaphore(%run_scoped3A : memref<!tpu.dma_semaphore, #tpu.memory_space<semaphore_mem>>) src(%dma_wait3A_133 : memref<128xf32, #tpu.memory_space<vmem>>) dst(%dma_wait3A_136 : memref<1605632xf32, #tpu.memory_space<vmem_shared>>)
          tpu.yield
        }) : () -> ()
        %while3A_128 = arith.constant 0 : i32
        scf.yield %while3A_128 : i32
      }
      %while3A_97 = arith.constant 1 : i32
      %while3A_98 = scf.for %while3A_122 = %while3A_94 to %while3A_90 step %while3A_97 iter_args(%while3A_123 = %while3A_96) -> (i32)  : i32 {
        %mul3A_124 = arith.constant 128 : i32
        %mul3A_125 = arith.muli %while3A_122, %mul3A_124 : i32
        %mul3A_126 = arith.constant 128 : i32
        %mul3A_127 = arith.muli %while3A_122, %mul3A_126 : i32
        "tpu.region"() ({
          %run_scoped3A = tpu.sem_alloc : memref<!tpu.dma_semaphore, #tpu.memory_space<semaphore_mem>>
          %dma_start3A_129 = tpu.memref_slice %arg11[%mul3A_125] : memref<3344xf32, #tpu.memory_space<vmem>> -> memref<128xf32, #tpu.memory_space<vmem>>
          %dma_start3A_130 = tpu.memref_slice %arg9[%mul3A_127] : memref<3344xi32, #tpu.memory_space<vmem>> -> memref<128xi32, #tpu.memory_space<vmem>>
          %dma_start3A_131 = arith.constant 0 : i32
          %dma_start3A_132 = tpu.memref_slice %arg14[%dma_start3A_131] : memref<1605632xf32, #tpu.memory_space<vmem_shared>> -> memref<1605632xf32, #tpu.memory_space<vmem_shared>>
          tpu.enqueue_indirect_dma source(%dma_start3A_129 : memref<128xf32, #tpu.memory_space<vmem>>) target(%dma_start3A_132 : memref<1605632xf32, #tpu.memory_space<vmem_shared>>) offsets(%dma_start3A_130 : memref<128xi32, #tpu.memory_space<vmem>>) semaphore(%run_scoped3A : memref<!tpu.dma_semaphore, #tpu.memory_space<semaphore_mem>>) {add = true}
          %dma_wait3A_133 = tpu.memref_slice %arg11[%mul3A_125] : memref<3344xf32, #tpu.memory_space<vmem>> -> memref<128xf32, #tpu.memory_space<vmem>>
          %dma_wait3A_134 = tpu.memref_slice %arg9[%mul3A_127] : memref<3344xi32, #tpu.memory_space<vmem>> -> memref<128xi32, #tpu.memory_space<vmem>>
          %dma_wait3A_135 = arith.constant 0 : i32
          %dma_wait3A_136 = tpu.memref_slice %arg14[%dma_wait3A_135] : memref<1605632xf32, #tpu.memory_space<vmem_shared>> -> memref<1605632xf32, #tpu.memory_space<vmem_shared>>
          tpu.wait_indirect_dma semaphore(%run_scoped3A : memref<!tpu.dma_semaphore, #tpu.memory_space<semaphore_mem>>) src(%dma_wait3A_133 : memref<128xf32, #tpu.memory_space<vmem>>) dst(%dma_wait3A_136 : memref<1605632xf32, #tpu.memory_space<vmem_shared>>)
          tpu.yield
        }) : () -> ()
        %while3A_128 = arith.constant 0 : i32
        scf.yield %while3A_128 : i32
      }
      %while3A_99 = arith.constant 0 : i32
      %while3A_100 = arith.constant 0 : i32
      %while3A_101 = arith.subi %scan3A_59#1, %while3A_99 : i32
      %while3A_102 = arith.addi %while3A_99, %while3A_101 : i32
      %while3A_103 = arith.constant 1 : i32
      %while3A_104 = arith.divsi %while3A_101, %while3A_103 : i32
      %while3A_105 = arith.muli %while3A_104, %while3A_103 : i32
      %while3A_106 = arith.addi %while3A_99, %while3A_105 : i32
      %while3A_107 = arith.constant 1 : i32
      %while3A_108 = scf.for %while3A_122 = %while3A_99 to %while3A_106 step %while3A_107 iter_args(%while3A_123 = %while3A_100) -> (i32)  : i32 {
        %dma_wait3A_124 = arith.constant 0 : i32
        %dma_wait3A_125 = tpu.memref_slice %arg12[%dma_wait3A_124] : memref<3344xf32, #tpu.memory_space<vmem>> -> memref<128xf32, #tpu.memory_space<vmem>>
        %dma_wait3A_126 = arith.constant 0 : i32
        %dma_wait3A_127 = tpu.memref_slice %arg10[%dma_wait3A_126] : memref<3344xi32, #tpu.memory_space<vmem>> -> memref<128xi32, #tpu.memory_space<vmem>>
        %dma_wait3A_128 = arith.constant 0 : i32
        %dma_wait3A_129 = tpu.memref_slice %arg14[%dma_wait3A_128] : memref<1605632xf32, #tpu.memory_space<vmem_shared>> -> memref<1605632xf32, #tpu.memory_space<vmem_shared>>
        tpu.wait_indirect_dma semaphore(%arg18 : memref<!tpu.dma_semaphore, #tpu.memory_space<semaphore_mem>>) src(%dma_wait3A_125 : memref<128xf32, #tpu.memory_space<vmem>>) dst(%dma_wait3A_129 : memref<1605632xf32, #tpu.memory_space<vmem_shared>>)
        %while3A_130 = arith.constant 0 : i32
        scf.yield %while3A_130 : i32
      }
      %while3A_109 = arith.constant 1 : i32
      %while3A_110 = scf.for %while3A_122 = %while3A_106 to %while3A_102 step %while3A_109 iter_args(%while3A_123 = %while3A_108) -> (i32)  : i32 {
        %dma_wait3A_124 = arith.constant 0 : i32
        %dma_wait3A_125 = tpu.memref_slice %arg12[%dma_wait3A_124] : memref<3344xf32, #tpu.memory_space<vmem>> -> memref<128xf32, #tpu.memory_space<vmem>>
        %dma_wait3A_126 = arith.constant 0 : i32
        %dma_wait3A_127 = tpu.memref_slice %arg10[%dma_wait3A_126] : memref<3344xi32, #tpu.memory_space<vmem>> -> memref<128xi32, #tpu.memory_space<vmem>>
        %dma_wait3A_128 = arith.constant 0 : i32
        %dma_wait3A_129 = tpu.memref_slice %arg14[%dma_wait3A_128] : memref<1605632xf32, #tpu.memory_space<vmem_shared>> -> memref<1605632xf32, #tpu.memory_space<vmem_shared>>
        tpu.wait_indirect_dma semaphore(%arg18 : memref<!tpu.dma_semaphore, #tpu.memory_space<semaphore_mem>>) src(%dma_wait3A_125 : memref<128xf32, #tpu.memory_space<vmem>>) dst(%dma_wait3A_129 : memref<1605632xf32, #tpu.memory_space<vmem_shared>>)
        %while3A_130 = arith.constant 0 : i32
        scf.yield %while3A_130 : i32
      }
      %barrier3A_111 = arith.constant 0 : index
      tpu.barrier barrier_id(%barrier3A_111)
      %mul3A_112 = arith.constant 100352 : i32
      %mul3A_113 = arith.muli %arg1, %mul3A_112 : i32
      %mul3A_114 = arith.constant 19267584 : i32
      %mul3A_115 = arith.muli %arg0, %mul3A_114 : i32
      %add3A_116 = arith.addi %mul3A_115, %mul3A_45 : i32
      %mul3A_117 = arith.constant 100352 : i32
      %mul3A_118 = arith.muli %arg1, %mul3A_117 : i32
      %add3A_119 = arith.addi %add3A_116, %mul3A_118 : i32
      "tpu.region"() ({
        %run_scoped3A = tpu.sem_alloc : memref<!tpu.dma_semaphore, #tpu.memory_space<semaphore_mem>>
        %dma_start3A_122 = tpu.memref_slice %arg4[%add3A_119] : memref<38535168xf32, #tpu.memory_space<hbm>> -> memref<100352xf32, #tpu.memory_space<hbm>>
        %dma_start3A_123 = tpu.memref_slice %arg14[%mul3A_113] : memref<1605632xf32, #tpu.memory_space<vmem_shared>> -> memref<100352xf32, #tpu.memory_space<vmem_shared>>
        tpu.enqueue_dma source(%dma_start3A_123 : memref<100352xf32, #tpu.memory_space<vmem_shared>>) target(%dma_start3A_122 : memref<100352xf32, #tpu.memory_space<hbm>>) target_semaphore(%run_scoped3A : memref<!tpu.dma_semaphore, #tpu.memory_space<semaphore_mem>>)
        %dma_wait3A_124 = tpu.memref_slice %arg4[%add3A_119] : memref<38535168xf32, #tpu.memory_space<hbm>> -> memref<100352xf32, #tpu.memory_space<hbm>>
        %dma_wait3A_125 = tpu.memref_slice %arg14[%mul3A_113] : memref<1605632xf32, #tpu.memory_space<vmem_shared>> -> memref<100352xf32, #tpu.memory_space<vmem_shared>>
        tpu.wait_dma2 semaphore(%run_scoped3A : memref<!tpu.dma_semaphore, #tpu.memory_space<semaphore_mem>>) src(%dma_wait3A_125 : memref<100352xf32, #tpu.memory_space<vmem_shared>>) dst(%dma_wait3A_124 : memref<100352xf32, #tpu.memory_space<hbm>>)
        tpu.yield
      }) : () -> ()
      %barrier3A_120 = arith.constant 0 : index
      tpu.barrier barrier_id(%barrier3A_120)
      %scan3A_121 = arith.constant 0 : i32
      scf.yield %scan3A_121 : i32
    }
    %scan3A_30 = arith.constant 12 : i32
    %add3A_31 = arith.constant 0 : i32
    %add3A_32 = arith.addi %add3A, %add3A_31 : i32
    %dma_wait3A = tpu.memref_slice %arg3[%add3A_32] : memref<9633792xi32, #tpu.memory_space<hbm>> -> memref<3072xi32, #tpu.memory_space<hbm>>
    %dma_wait3A_33 = tpu.memref_slice %arg3[%add3A_32] : memref<9633792xi32, #tpu.memory_space<hbm>> -> memref<3072xi32, #tpu.memory_space<hbm>>
    tpu.wait_dma2 semaphore(%arg15 : memref<!tpu.dma_semaphore, #tpu.memory_space<semaphore_mem>>) src(%dma_wait3A_33 : memref<3072xi32, #tpu.memory_space<hbm>>) dst(%arg5 : memref<3072xi32, #tpu.memory_space<vmem>>)
    %dma_wait3A_34 = tpu.memref_slice %arg2[%add3A_32] : memref<9633792xf32, #tpu.memory_space<hbm>> -> memref<3072xf32, #tpu.memory_space<hbm>>
    %dma_wait3A_35 = tpu.memref_slice %arg2[%add3A_32] : memref<9633792xf32, #tpu.memory_space<hbm>> -> memref<3072xf32, #tpu.memory_space<hbm>>
    tpu.wait_dma2 semaphore(%arg15 : memref<!tpu.dma_semaphore, #tpu.memory_space<semaphore_mem>>) src(%dma_wait3A_35 : memref<3072xf32, #tpu.memory_space<hbm>>) dst(%arg7 : memref<3072xf32, #tpu.memory_space<vmem>>)
    %add3A_36 = arith.constant 3072 : i32
    %add3A_37 = arith.addi %add3A, %add3A_36 : i32
    %dma_wait3A_38 = tpu.memref_slice %arg3[%add3A_37] : memref<9633792xi32, #tpu.memory_space<hbm>> -> memref<3072xi32, #tpu.memory_space<hbm>>
    %dma_wait3A_39 = tpu.memref_slice %arg3[%add3A_37] : memref<9633792xi32, #tpu.memory_space<hbm>> -> memref<3072xi32, #tpu.memory_space<hbm>>
    tpu.wait_dma2 semaphore(%arg16 : memref<!tpu.dma_semaphore, #tpu.memory_space<semaphore_mem>>) src(%dma_wait3A_39 : memref<3072xi32, #tpu.memory_space<hbm>>) dst(%arg6 : memref<3072xi32, #tpu.memory_space<vmem>>)
    %dma_wait3A_40 = tpu.memref_slice %arg2[%add3A_37] : memref<9633792xf32, #tpu.memory_space<hbm>> -> memref<3072xf32, #tpu.memory_space<hbm>>
    %dma_wait3A_41 = tpu.memref_slice %arg2[%add3A_37] : memref<9633792xf32, #tpu.memory_space<hbm>> -> memref<3072xf32, #tpu.memory_space<hbm>>
    tpu.wait_dma2 semaphore(%arg16 : memref<!tpu.dma_semaphore, #tpu.memory_space<semaphore_mem>>) src(%dma_wait3A_41 : memref<3072xf32, #tpu.memory_space<hbm>>) dst(%arg8 : memref<3072xf32, #tpu.memory_space<vmem>>)
    return
  }
}

</mosaic_0001>

<sc_bundles>
// kernel: kernel.3.cloned.1.call-start
scs
__scs_entry_jumppad:
0x0: {  	(pc) =	sbr.rel $0x88, $3  }
0x1: {  	(tag) =	ssettag $0x0;
	lr =	simm.s32 $0x1  }
0x2: {  	[smem:$0x3F9F] =	sst lr;
	_ =	strace $0xD0000000  }
0x3: {  	_ = 	snop  }
0x4: {  	_ = 	snop  }
0x5: {  	_ = 	snop  }
0x6: {  	_ = 	snop  }
0x7: {  	_ = 	snop  }
__scs_overlays_trampoline_lowered:
0x8: {  	[smem:$0x3FAE] =	sst s0  }
0x9: {  	[smem:$0x3FAF] =	sst s1  }
0xa: {  	[smem:$0x3FB0] =	sst s2  }
0xb: {  	[smem:$0x3FB1] =	sst s3  }
0xc: {  	[smem:$0x3FB2] =	sst s4  }
0xd: {  	[smem:$0x3FB3] =	sst s5  }
0xe: {  	[smem:$0x3FB4] =	sst s6  }
0xf: {  	[smem:$0x3FB5] =	sst s7  }
0x10: {  	[smem:$0x3FB6] =	sst s8  }
0x11: {  	[smem:$0x3FB7] =	sst s9;
	s0 =	simm.s32 @!p0 $0x0  }
0x12: {  	s1 =	sld [smem:$0x3F9D];
	s0 =	simm.s32 @p0 $0x1  }
0x13: {  	[smem:$0x3FB8] =	sst s0;
	s0 =	simm.s32 @!p1 $0x0  }
0x14: {  	s2 =	sld [smem:$0x3F9C];
	s0 =	simm.s32 @p1 $0x1  }
0x15: {  	[smem:$0x3FB9] =	sst s0;
	s0 =	simm.s32 @!p2 $0x0  }
0x16: {  	s3 =	sld [smem:$0x3FDB];
	s0 =	simm.s32 @p2 $0x1  }
0x17: {  	s4 =	simm.s32 $0x1BF5;
	[smem:$0x3FBB] =	sst s0  }
0x18: {  	s0 =	sld [smem:$0x3F9E];
	_ =	swait.ge [sflag:s4], $0x0  }
0x19: {  	s7 =	sld [smem:$0x3F9F]  }
0x1a: {  	s8 =	sadd.s32 $0xFFFFE003, lr  }
0x1b: {  	s9 =	sadd.s32 $0xFFFFFEF7, lr;
	s5 =	simm.s32 $0xFFFFFFFF;
	p2 =	slt.u32 s8, $0xFFFFF086  }
0x1c: {  	p1 =	slt.u32 s9, $0xF7A;
	s5 =	simm.s32 @!p2 $0x0  }
0x1d: {  	s5 =	simm.s32 @p1 $0x1;
	p0 =	seq.s32 s7, s2  }
0x1e: {  	s7 =	smul.u32 @!p0 $0xF7A, s2;
	p2 =	seq.s32 @!p0 s5, $0x0  }
0x1f: {  	s9 =	smul.u32 $0xF7A, s1;
	s8 =	simm.s32 @!p0 $0x1BF5;
	p2 =	por !p2, p0  }
0x20: {  	[sflag:s8] =	ssyncset.s32 @!p0 $0xFFFFF086;
	s6 =	sadd.s32 @!p0 s3, s7;
	s7 =	simm.s32 @!p0 $0x108  }
0x21: {  	s3 =	sadd.s32 s3, s9;
	s6 =	sadd.s32 @!p0 $0x88, s6;
	s7 =	simm.s32 @p2 $0x1082  }
0x22: {  	[simem:s7], [sflag:s8] =	dma.local @!p0 [hbm:s6], $0xF7A  }
0x23: {  	s9 =	sor.u32 $0xD0000000, s2;
	s6 =	simm.s32 $0x108;
	_ =	swait.ge @!p0 [sflag:s8], $0x0  }
0x24: {  	s3 =	sadd.s32 $0x88, s3;
	s6 =	simm.s32 @!p1 $0x1082;
	[sflag:s4] =	ssyncset.s32 $0xFFFFF086  }
0x25: {  	[simem:s6], [sflag:s4] =	dma.local [hbm:s3], $0xF7A  }
0x26: {  	[smem:$0x3F9F] =	sst s1;
	(tag) =	ssettag s2;
	_ =	strace s9  }
0x27: {  	s1 =	sld [smem:$0x3FAF]  }
0x28: {  	s2 =	sld [smem:$0x3FB0]  }
0x29: {  	s4 =	sld [smem:$0x3FB2]  }
0x2a: {  	p0 =	seq.s32 s5, $0x0;
	s5 =	sld [smem:$0x3FB3]  }
0x2b: {  	s6 =	sld [smem:$0x3FB4]  }
0x2c: {  	s7 =	sld [smem:$0x3FB5]  }
0x2d: {  	s3 =	simm.s32 $0x108;
	s8 =	sld [smem:$0x3FB6]  }
0x2e: {  	s3 =	simm.s32 @!p0 $0x1082;
	s9 =	sld [smem:$0x3FB7]  }
0x2f: {  	lr =	sadd.s32 s0, s3;
	s0 =	sld [smem:$0x3FAE]  }
0x30: {  	s3 =	sld [smem:$0x3FB1]  }
0x31: {  	[smem:$0x3FBA] =	sst s10  }
0x32: {  	s10 =	sld [smem:$0x3FB8];
	_ =	sdelay $0x3  }
0x33: {  	p0 =	seq.s32 s10, $0x1;
	s10 =	sld [smem:$0x3FBA];
	_ =	sdelay $0x3  }
0x34: {  	[smem:$0x3FBA] =	sst s10  }
0x35: {  	s10 =	sld [smem:$0x3FB9];
	_ =	sdelay $0x3  }
0x36: {  	p1 =	seq.s32 s10, $0x1;
	s10 =	sld [smem:$0x3FBA];
	_ =	sdelay $0x3  }
0x37: {  	[smem:$0x3FBA] =	sst s10  }
0x38: {  	s10 =	sld [smem:$0x3FBB]  }
0x39: {  	_ = 	snop;
	(pc) =	sbr.ind lr, $3  }
0x3a: {  	_ = 	snop  }
0x3b: {  	_ = 	snop  }
0x3c: {  	p2 =	seq.s32 s10, $0x1;
	s10 =	sld [smem:$0x3FBA]  }
0x3d: {  	_ =	shalt  }
0x3e: {  	_ =	shalt  }
0x3f: {  	_ =	shalt  }
0x40: {  	_ =	shalt  }
0x41: {  	_ =	shalt  }
0x42: {  	_ =	shalt  }
0x43: {  	_ =	shalt  }
0x44: {  	_ =	shalt  }
0x45: {  	_ =	shalt  }
0x46: {  	_ =	shalt  }
0x47: {  	_ =	shalt  }
0x48: {  	_ =	shalt  }
0x49: {  	_ =	shalt  }
0x4a: {  	_ =	shalt  }
0x4b: {  	_ =	shalt  }
0x4c: {  	_ =	shalt  }
0x4d: {  	_ =	shalt  }
0x4e: {  	_ =	shalt  }
0x4f: {  	_ =	shalt  }
0x50: {  	_ =	shalt  }
0x51: {  	_ =	shalt  }
0x52: {  	_ =	shalt  }
0x53: {  	_ =	shalt  }
0x54: {  	_ =	shalt  }
0x55: {  	_ =	shalt  }
0x56: {  	_ =	shalt  }
0x57: {  	_ =	shalt  }
0x58: {  	_ =	shalt  }
0x59: {  	_ =	shalt  }
0x5a: {  	_ =	shalt  }
0x5b: {  	_ =	shalt  }
0x5c: {  	_ =	shalt  }
0x5d: {  	_ =	shalt  }
0x5e: {  	_ =	shalt  }
0x5f: {  	_ =	shalt  }
0x60: {  	_ =	shalt  }
0x61: {  	_ =	shalt  }
0x62: {  	_ =	shalt  }
0x63: {  	_ =	shalt  }
0x64: {  	_ =	shalt  }
0x65: {  	_ =	shalt  }
0x66: {  	_ =	shalt  }
0x67: {  	_ =	shalt  }
0x68: {  	_ =	shalt  }
0x69: {  	_ =	shalt  }
0x6a: {  	_ =	shalt  }
0x6b: {  	_ =	shalt  }
0x6c: {  	_ =	shalt  }
0x6d: {  	_ =	shalt  }
0x6e: {  	_ =	shalt  }
0x6f: {  	_ =	shalt  }
0x70: {  	_ =	shalt  }
0x71: {  	_ =	shalt  }
0x72: {  	_ =	shalt  }
0x73: {  	_ =	shalt  }
0x74: {  	_ =	shalt  }
0x75: {  	_ =	shalt  }
0x76: {  	_ =	shalt  }
0x77: {  	_ =	shalt  }
0x78: {  	_ =	shalt  }
0x79: {  	_ =	shalt  }
0x7a: {  	_ =	shalt  }
0x7b: {  	_ =	shalt  }
0x7c: {  	_ =	shalt  }
0x7d: {  	_ =	shalt  }
0x7e: {  	_ =	shalt  }
0x7f: {  	_ =	shalt  }
0x80: {  	_ =	shalt  }
0x81: {  	_ =	shalt  }
0x82: {  	_ =	shalt  }
0x83: {  	_ =	shalt  }
0x84: {  	_ =	shalt  }
0x85: {  	_ =	shalt  }
0x86: {  	_ =	shalt  }
0x87: {  	_ =	shalt  }
.Lfunc_end0:
.L_simem_size_0:
called_computation_lowered:
.L_overlay_start_0:
0x88: {  	s2 =	sld [smem:$0x3FD9]  }
0x89: {  	s3 =	sld [smem:$0x3FFE];
	_ =	sdelay $0x1  }
0x8a: {  	s1 =	srdreg.scid  }
0x8b: {  	s0 =	sand.u32 $0x1, s1  }
0x8c: {  	s17 =	sshll.u32 s0, $0xA;
	s2 =	sadd.s32 s3, s2  }
0x8d: {  	s2 =	sadd.s32 s2, s17  }
0x8e: {  	[smem:$0x3FC6] =	sst s2  }
0x8f: {  	_ = 	snop  }
0x90: {  	s2 =	sld [smem:$0x3FD0];
	(tm) =	ssettm $0x1  }
0x91: {  	s18 =	sld [smem:$0x3FFB];
	_ =	sdelay $0x3  }
0x92: {  	_ =	strace s18  }
0x93: {  	s3 =	sld [smem:$0x3FFC];
	_ =	sdelay $0x3  }
0x94: {  	_ =	strace s3  }
0x95: {  	s3 =	sld [smem:$0x3FFD];
	_ =	sdelay $0x3  }
0x96: {  	_ =	strace s3  }
0x97: {  	_ =	strace $0x8FFFFFFF  }
0x98: {  	s19 =	sld [smem:$0x3FDB];
	_ =	sdelay $0x1  }
0x99: {  	s4 =	simm.s32 $_scs_section_size  }
0x9a: {  	s5 =	simm.s32 $_size__tile_overlayer_lowered;
	s6 =	simm.s32 $_tile_overlayer_lowered  }
0x9b: {  	s22 =	simm.s32 $0x1BFF;
	s21 =	sshll.u32 s6, $0x1;
	s3 =	sadd.s32 s4, s19  }
0x9c: {  	s7 =	simm.s32 $0x0;
	s20 =	sshll.u32 s5, $0x1;
	s5 =	sadd.s32 s21, s3  }
0x9d: {  	[timem:s7], [sflag:s22] =	dma.local [hbm:s5], s20  }
0x9e: {  	_ =	swait.ge [sflag:s22], s20  }
0x9f: {  	s4 =	ssub.s32 $0x0, s20;
	[sflag:s22] =	ssyncset.done $0x0  }
0xa0: {  	[sflag:s22] =	ssyncadd.s32 s4;
	_ =	sdelay $0x1  }
0xa1: {  	s23 =	simm.s32 $0x1B8B  }
0xa2: {  	_ =	swait.ge [sflag:s23], $0x1  }
0xa3: {  	[sflag:s23] =	ssyncset.done $0x0  }
0xa4: {  	s25 =	simm.s32 $0x1B8E;
	s24 =	sld [smem:$0x3FFE];
	[sflag:s23] =	ssyncadd.s32 $0xFFFFFFFF  }
0xa5: {  	s26 =	simm.s32 $execute0_lowered;
	[smem:$0x3FD2] =	sst s25  }
0xa6: {  	s5 =	sshll.u32 s26, $0x1;
	_ =	strace $0x80000046;
	[dreg:$0x1] =	wrdreg $0xFFFFFFFF  }
0xa7: {  	s28 =	simm.s32 $_size_execute0_lowered;
	s3 =	sadd.s32 s3, s5;
	[dreg:$0x0] =	wrdreg $0x0  }
0xa8: {  	s5 =	sshll.u32 s28, $0x1;
	[dreg:$0x2] =	wrdreg s3  }
0xa9: {  	[dreg:$0x3] =	wrdreg s5  }
0xaa: {  	[dreg:$0x4] =	wrdreg $0xC0  }
0xab: {  	_ =	task [dreg:s7], $0x5FFFF  }
0xac: {  	[dreg:$0x1] =	wrdreg $0xFFFFFFFF  }
0xad: {  	[dreg:$0x0] =	wrdreg $0x60  }
0xae: {  	[dreg:$0x2] =	wrdreg s2  }
0xaf: {  	[dreg:$0x3] =	wrdreg s24  }
0xb0: {  	[dreg:$0x4] =	wrdreg $0x74000  }
0xb1: {  	[dreg:$0x5] =	wrdreg $0x9  }
0xb2: {  	_ =	task.clear_ibuf [dreg:s7], $0x6FFFF;
	_ =	strace $0x90000046  }
0xb3: {  	s29 =	simm.s32 $0x9;
	_ =	strace $0x80000048  }
0xb4: {  	_ =	swait.ge [sflag:s29], $0x1  }
0xb5: {  	[sflag:s29] =	ssyncadd.s32 $0xFFFFFFFF  }
0xb6: {  	_ =	strace $0x90000048  }
0xb7: {  	_ =	sfence  }
0xb8: {  	s30 =	sld [smem:$0x0];
	_ =	sdelay $0x2  }
0xb9: {  	s31 =	sshll.u32 s1, $0xD;
	s1 =	sshrl.u32 s1, $0x2  }
0xba: {  	s3 =	sand.u32 $0x4000, s31;
	s1 =	sadd.s32 s1, s30  }
0xbb: {  	s0 =	sor.u32 s3, s0;
	s1 =	sshll.u32 s1, $0x11  }
0xbc: {  	s0 =	sor.u32 s1, s0  }
0xbd: {  	s0 =	sadd.s32 $0x8F2B, s0  }
0xbe: {  	[sflag:s0] =	ssyncadd.remote.s32 $0x1  }
0xbf: {  	_ =	sfence.sel $0xFFFF  }
0xc0: {  	[dreg:$0x0] =	wrdreg $0xFFFFFFFF;
	(pc) =	sbr.abs _section_cstart, $3  }
0xc1: {  	[dreg:$0x1] =	wrdreg $0xFFFFFFFF  }
0xc2: {  	_ =	task.clear_ibuf [dreg:s7], $0x2FFFF;
	_ =	strace $0x9FFFFFFF  }
0xc3: {  	(tm) =	ssettm $0x7FFFFFFF  }
tec
execute0_lowered:
.L_overlay_start_1:
0x0: {  	(tag) =	ssettag $0x1  }
0x1: {  	s1 =	rddreg [dreg:$0x0]  }
0x2: {  	s0 =	rddreg [dreg:$0x1]  }
0x3: {  	s2 =	rddreg [dreg:$0x2];
	s3 =	srdreg.scid  }
0x4: {  	s4 =	simm.s32 $0x0;
	s9 =	stileid.u32;
	s15 =	simm.s32 $0x1800  }
0x5: {  	s16 =	simm.s32 $0xC00;
	s17 =	simm.s32 $0x2400;
	s18 =	simm.s32 $0x6600  }
0x6: {  	s19 =	simm.s32 $0x5;
	s20 =	simm.s32 $0x1;
	s7 =	smul.u32 $0x49800, s9  }
0x7: {  	s21 =	simm.s32 $0x80;
	s22 =	simm.s32 $0x4;
	s26 =	smul.u32 $0x62000, s9  }
0x8: {  	s23 =	simm.s32 $0x2;
	s3 =	sand.u32 $0x1, s3;
	s9 =	smul.u32 $0x18800, s9  }
0x9: {  	[smem:$0x7FF] =	sst s4;
	s5 =	sadd.s32 $0x400, s0;
	s6 =	smul.u32 $0x498000, s3  }
0xa: {  	s0 =	sadd.s32 $0x126400, s0;
	s8 =	ssub.s32 $0x2, s3;
	s3 =	smul.u32 $0x1260000, s3  }
0xb: {  	_ =	strace $0x80000047;
	[dreg:$0x4] =	wrdreg s0;
	s25 =	sshrl.u32 s8, $0x1  }
0xc: {  	s30 =	sadd.s32 s9, s2;
	s7 =	sadd.s32 s7, s6;
	s3 =	sadd.s32 s3, s9  }
0xd: {  	s0 =	ssub.s32 s8, s25;
	s31 =	sshrl.u32 s30, $0x3;
	[dreg:$0x9] =	wrdreg s3  }
0xe: {  	s6 =	sshrl.u32 s7, $0x3;
	s0 =	smax.u32 s0, $0x1;
	[dreg:$0xb] =	wrdreg s31  }
.Ltmp0:
0xf: {  	s10 =	sadd.s32 s5, s6;
	[dreg:$0xa] =	wrdreg s0;
	(pc) =	sbr.rel .LBB2_1-.Ltmp0, $4  }
0x10: {  	s28 =	sadd.s32 s1, s6;
	s6 =	sadd.s32 $0x180, s6;
	[dreg:$0x5] =	wrdreg s10  }
0x11: {  	s24 =	simm.s32 $0x3;
	[dreg:$0x6] =	wrdreg s28;
	s29 =	sadd.s32 s5, s6  }
0x12: {  	s8 =	sshrl.u32 s26, $0x2;
	s6 =	sadd.s32 s1, s6;
	[dreg:$0x7] =	wrdreg s29  }
0x13: {  	v0 =	vimm.f32 $0.0e+00;
	v1 =	vimm.s32 $0x0;
	s12 =	sadd.s32 s8, s2;
	s3 =	simm.s32 $0x0;
	[dreg:$0x8] =	wrdreg s6  }
.LBB2_28:
0x14: {  	_ =	swait.ge [sflag:s20], $0xC00  }
0x15: {  	[sflag:s20] =	ssyncset.done $0x0  }
0x16: {  	[sflag:s20] =	ssyncadd.s32 $0xFFFFF400  }
0x17: {  	_ =	swait.ge [sflag:s20], $0xC00  }
0x18: {  	[sflag:s20] =	ssyncset.done $0x0  }
0x19: {  	[sflag:s20] =	ssyncadd.s32 $0xFFFFF400  }
0x1a: {  	_ =	swait.ge [sflag:s23], $0xC00  }
0x1b: {  	[sflag:s23] =	ssyncset.done $0x0  }
0x1c: {  	[sflag:s23] =	ssyncadd.s32 $0xFFFFF400  }
0x1d: {  	_ =	swait.ge [sflag:s23], $0xC00  }
0x1e: {  	s3 =	rddreg [dreg:$0xc]  }
0x1f: {  	s0 =	rddreg [dreg:$0xa];
	s3 =	sadd.s32 $0x1, s3  }
0x20: {  	p0 =	sne.s32 s3, s0  }
.Ltmp1:
0x21: {  	_ = 	snop;
	(pc) =	sbr.rel @!p0 .LBB2_29-.Ltmp1, $3  }
0x22: {  	_ =	sdelay $0x1  }
0x23: {  	[sflag:s23] =	ssyncset.done $0x0  }
0x24: {  	[sflag:s23] =	ssyncadd.s32 $0xFFFFF400  }
.LBB2_1:
0x25: {  	[dreg:$0xc] =	wrdreg s3;
	s0 =	simm.s32 $0x40;
	s3 =	simm.s32 $0x0  }
.LBB2_2:
0x26: {  	p0 =	sne.s32 s0, $0x37C0;
	[tilespmem:s3+$0x6600] =	vst v0;
	s3 =	smov.u32 s0;
	s0 =	sadd.s32 $0x40, s0  }
.Ltmp2:
0x27: {  	(pc) =	sbr.rel @p0 .LBB2_2-.Ltmp2, $2  }
0x28: {  	_ =	sdelay $0x2  }
0x29: {  	s3 =	sshra.s32 s3, $0x2  }
0x2a: {  	[tilespmem:s3+$0x6600] =	vst v0;
	s28 =	simm.s32 $0x0;
	s0 =	rddreg [dreg:$0x5]  }
0x2b: {  	[tilespmem:s28], [sflag:$0x1] =	stream.linear.gather [hbm4b:s0+s28], $0xC00, $0x38;
	[tilespmem:$0x1FC00] =	vst v63  }
0x2c: {  	s29 =	rddreg [dreg:$0x6]  }
0x2d: {  	[tilespmem:s15], [sflag:$0x1] =	stream.linear.gather [hbm4b:s29+s28], $0xC00, $0x38;
	[tilespmem:$0x1FC00] =	vst v63  }
.Ltmp3:
0x2e: {  	_ = 	snop;
	(pc) =	sbr.rel .LBB2_4-.Ltmp3, $4  }
0x2f: {  	s30 =	rddreg [dreg:$0x7]  }
0x30: {  	[tilespmem:s16], [sflag:$0x2] =	stream.linear.gather [hbm4b:s30+s28], $0xC00, $0x38;
	[tilespmem:$0x1FC00] =	vst v63  }
0x31: {  	s31 =	rddreg [dreg:$0x8]  }
0x32: {  	[tilespmem:s17], [sflag:$0x2] =	stream.linear.gather [hbm4b:s31+s28], $0xC00, $0x38;
	[tilespmem:$0x1FC00] =	vst v63  }
.LBB2_26:
0x33: {  	[sflag:s22] =	ssyncadd.s32 $0xFFFFFF80  }
.LBB2_27:
0x34: {  	s0 =	rddreg [dreg:$0x9];
	s3 =	stileid.u32;
	[bflag:$0x0] =	sbarrier.arrive $0xFFFF  }
0x35: {  	s28 =	sadd.s32 $0x1, s28;
	s0 =	sadd.s32 s29, s0;
	s6 =	rddreg [dreg:$0x4]  }
0x36: {  	s3 =	sshll.u32 s3, $0x6;
	s31 =	rddreg [dreg:$0xb];
	s0 =	sshrl.u32 s0, $0x3  }
0x37: {  	p0 =	sne.s32 s28, $0xC;
	s3 =	sor.u32 $0x1C05, s3;
	s0 =	sadd.s32 s6, s0  }
0x38: {  	[hbm:s0], [sflag:s3] =	dma.local [spmem:s31], $0x3100  }
.Ltmp4:
0x39: {  	_ =	swait.ge [sflag:s19], $0x3100;
	(pc) =	sbr.rel @!p0 .LBB2_28-.Ltmp4, $3  }
0x3a: {  	[sflag:s19] =	ssyncset.done $0x0  }
0x3b: {  	[sflag:s19] =	ssyncadd.s32 $0xFFFFCF00  }
0x3c: {  	[bflag:$0x0] =	sbarrier.arrive $0xFFFF;
	_ =	sdelay $0x1  }
.LBB2_4:
0x3d: {  	s0 =	sadd.s32 $0x0, s12  }
0x3e: {  	[spmem:s0] =	stream.linear.scatter [tilespmem:s18], [sflag:$0x5], $0xE00, $0x38;
	[tilespmem:$0x1FC00] =	vst v63  }
0x3f: {  	s0 =	simm.s32 $0x3800;
	_ =	swait.ge [sflag:s19], $0xE00  }
.LBB2_5:
0x40: {  	s3 =	sshra.s32 s0, $0x2;
	[sflag:s19] =	ssyncset.done $0x0;
	p0 =	sne.s32 s0, $0x5E800  }
.Ltmp5:
0x41: {  	s3 =	sadd.s32 s3, s12;
	[sflag:s19] =	ssyncadd.s32 $0xFFFFF200;
	(pc) =	sbr.rel @p0 .LBB2_5-.Ltmp5, $3  }
0x42: {  	[spmem:s3] =	stream.linear.scatter [tilespmem:s18], [sflag:$0x5], $0xE00, $0x38;
	[tilespmem:$0x1FC00] =	vst v63  }
0x43: {  	s0 =	sadd.s32 $0x3800, s0;
	_ =	sdelay $0x1  }
0x44: {  	_ =	swait.ge [sflag:s19], $0xE00  }
.Ltmp6:
0x45: {  	(pc) =	sbr.rel .LBB2_7-.Ltmp6, $4  }
0x46: {  	[sflag:s19] =	ssyncset.done $0x0  }
0x47: {  	s29 =	smul.u32 $0x188000, s28;
	[sflag:s19] =	ssyncadd.s32 $0xFFFFF200  }
0x48: {  	[bflag:$0x0] =	sbarrier.arrive $0xFFFF  }
0x49: {  	s31 =	simm.s32 $0x0;
	s0 =	simm.s32 $0x0;
	s30 =	simm.s32 $0x0;
	v2 =	vmov s29  }
.LBB2_45:
0x4a: {  	s14 =	simm.s32 $0x4B00;
	s3 =	simm.s32 $0x3000  }
.LBB2_49:
0x4b: {  	s6 =	sand.u32 $0xFFFFFF80, s13;
	s10 =	sand.u32 $0x70, s10  }
0x4c: {  	[tilespmem:s14+$0x0] =	vst @p0 v3;
	s6 =	sor.u32 s10, s6  }
0x4d: {  	v3 =	vld [tilespmem:s6+$0x3D80];
	_ =	sdelay $0x2  }
0x4e: {  	s3 =	sadd.s32 @p0 $0x10, s3  }
0x4f: {  	s9 =	smov.u32 @p0 s3  }
0x50: {  	[tilespmem:s9+$0x0] =	vst v3  }
0x51: {  	v3 =	vld [tilespmem:s6+$0x5880];
	_ =	sdelay $0x2  }
0x52: {  	s3 =	sadd.s32 @p0 $0x10, s14  }
0x53: {  	s8 =	smov.u32 @p0 s3  }
0x54: {  	[tilespmem:s8+$0x0] =	vst v3  }
.LBB2_50:
0x55: {  	s30 =	sadd.s32 $0x1, s30  }
0x56: {  	p0 =	seq.s32 s30, $0x31  }
.Ltmp7:
0x57: {  	_ = 	snop;
	(pc) =	sbr.rel @p0 .LBB2_19-.Ltmp7, $1  }
0x58: {  	_ =	sdelay $0x3  }
.LBB2_7:
0x59: {  	_ =	swait.ge [sflag:s20], $0xC00  }
0x5a: {  	[sflag:s20] =	ssyncset.done $0x0  }
0x5b: {  	[sflag:s20] =	ssyncadd.s32 $0xFFFFF400  }
0x5c: {  	_ =	swait.ge [sflag:s20], $0xC00  }
0x5d: {  	[sflag:s20] =	ssyncset.done $0x0  }
0x5e: {  	s8 =	simm.s32 $0x0;
	[sflag:s20] =	ssyncadd.s32 $0xFFFFF400  }
0x5f: {  	v5 =	vld [tilespmem:s8+$0x40]  }
0x60: {  	v6 =	vld [tilespmem:s8+$0x30]  }
0x61: {  	v12 =	vld [tilespmem:s8+$0xE0]  }
0x62: {  	v3 =	vld [tilespmem:s8+$0x18D0]  }
0x63: {  	v7 =	vld [tilespmem:s8+$0x20]  }
0x64: {  	v4 =	vld [tilespmem:s8+$0x18C0]  }
0x65: {  	v8 =	vld [tilespmem:s8+$0x10]  }
0x66: {  	v9 =	vld [tilespmem:s8+$0x0]  }
0x67: {  	v10 =	vld [tilespmem:s8+$0x50]  }
0x68: {  	v11 =	vld [tilespmem:s8+$0x1860]  }
0x69: {  	v13 =	vld [tilespmem:s8+$0x60]  }
0x6a: {  	v14 =	vld [tilespmem:s8+$0x1850]  }
0x6b: {  	v15 =	vld [tilespmem:s8+$0x70];
	v9 =	vsub.s32 v9, v2  }
0x6c: {  	v16 =	vld [tilespmem:s8+$0x1840];
	vm1 =	vlt.u32 v9, $0x188000  }
0x6d: {  	v17 =	vld [tilespmem:s8+$0x80];
	v18 =	vsub.s32 v8, v2;
	v8 =	vmpcnt.ones.xlane vm1  }
0x6e: {  	v19 =	vld [tilespmem:s8+$0x1830];
	vm2 =	vlt.u32 v18, $0x188000  }
0x6f: {  	v20 =	vld [tilespmem:s8+$0x90];
	v21 =	vsub.s32 v7, v2;
	v7 =	vmpcnt.ones.xlane vm2;
	(v2sf) =	vpush v8, $0x0  }
0x70: {  	v22 =	vld [tilespmem:s8+$0xA0];
	vm3 =	vlt.u32 v21, $0x188000  }
0x71: {  	v23 =	vld [tilespmem:s8+$0x1800];
	v24 =	vsub.s32 v6, v2;
	v6 =	vmpcnt.ones.xlane vm3;
	(v2sf) =	vpush v7, $0x0  }
0x72: {  	v25 =	vld [tilespmem:s8+$0xB0];
	vm4 =	vlt.u32 v24, $0x188000  }
0x73: {  	v26 =	vld [tilespmem:s8+$0x1810];
	v27 =	vsub.s32 v5, v2;
	v8 =	vmpcnt.ones.xlane vm4;
	(v2sf) =	vpush v6, $0x0  }
0x74: {  	v28 =	vld [tilespmem:s8+$0x1820];
	vm6 =	vlt.u32 v27, $0x188000  }
0x75: {  	v29 =	vld [tilespmem:s8+$0xC0];
	v10 =	vsub.s32 v10, v2;
	v5 =	vmpcnt.ones.xlane vm6;
	(v2sf) =	vpush v8, $0x0  }
0x76: {  	v30 =	vld [tilespmem:s8+$0xD0];
	vm9 =	vlt.u32 v10, $0x188000  }
0x77: {  	v31 =	vld [tilespmem:s8+$0x1890];
	v6 =	vmpcnt.ones.xlane vm9;
	(v2sf) =	vpush v5, $0x0  }
0x78: {  	v33 =	vld [tilespmem:s8+$0xF0];
	v13 =	vsub.s32 v13, v2  }
0x79: {  	v60 =	vld [tilespmem:s8+$0x1880];
	vm10 =	vlt.u32 v13, $0x188000;
	(v2sf) =	vpush v6, $0x0  }
0x7a: {  	v36 =	vld [tilespmem:s8+$0x1870];
	v32 =	vmpcnt.ones.xlane vm10  }
0x7b: {  	v7 =	vld [tilespmem:s8+$0x18A0]  }
0x7c: {  	v8 =	vld [tilespmem:s8+$0x18B0];
	(v2sf) =	vpush v32, $0x0  }
0x7d: {  	v5 =	vld [tilespmem:s8+$0x18F0]  }
0x7e: {  	v6 =	vld [tilespmem:s8+$0x18E0];
	[tilespmem:s0+$0x3000] =	vst.msk vm1, v9;
	s3 =	spop (v2sf)  }
0x7f: {  	[tilespmem:s0+$0x4B00] =	vst.msk vm1, v23;
	s25 =	sadd.s32 s0, s3  }
0x80: {  	v15 =	vsub.s32 v15, v2;
	s26 =	spop (v2sf);
	[tilespmem:s25+$0x3000] =	vst.msk vm2, v18  }
0x81: {  	v17 =	vsub.s32 v17, v2;
	vm8 =	vlt.u32 v15, $0x188000;
	s3 =	sadd.s32 s25, s26;
	[tilespmem:s25+$0x4B00] =	vst.msk vm2, v26  }
0x82: {  	vm7 =	vlt.u32 v17, $0x188000;
	v34 =	vmpcnt.ones.xlane vm8;
	s6 =	spop (v2sf);
	[tilespmem:s3+$0x3000] =	vst.msk vm3, v21  }
0x83: {  	v35 =	vmpcnt.ones.xlane vm7;
	s0 =	sadd.s32 s3, s6;
	[tilespmem:s3+$0x4B00] =	vst.msk vm3, v28  }
0x84: {  	(v2sf) =	vpush v34, $0x0;
	s8 =	spop (v2sf);
	[tilespmem:s0+$0x3000] =	vst.msk vm4, v24  }
0x85: {  	v20 =	vsub.s32 v20, v2;
	(v2sf) =	vpush v35, $0x0;
	[tilespmem:s0+$0x4B00] =	vst.msk vm4, v19;
	s0 =	sadd.s32 s0, s8  }
0x86: {  	v22 =	vsub.s32 v22, v2;
	vm5 =	vlt.u32 v20, $0x188000;
	s9 =	spop (v2sf);
	[tilespmem:s0+$0x3000] =	vst.msk vm6, v27  }
0x87: {  	vm0 =	vlt.u32 v22, $0x188000;
	v61 =	vmpcnt.ones.xlane vm5;
	v9 =	vsub.s32 v30, v2;
	[tilespmem:s0+$0x4B00] =	vst.msk vm6, v16;
	s0 =	sadd.s32 s0, s9  }
0x88: {  	v62 =	vmpcnt.ones.xlane vm0;
	vm1 =	vlt.u32 v9, $0x188000;
	s10 =	spop (v2sf);
	[tilespmem:s0+$0x3000] =	vst.msk vm9, v10  }
0x89: {  	v63 =	vmpcnt.ones.xlane vm1;
	(v2sf) =	vpush v61, $0x0;
	v10 =	vsub.s32 v25, v2;
	[tilespmem:s0+$0x4B00] =	vst.msk vm9, v14;
	s0 =	sadd.s32 s0, s10  }
0x8a: {  	(v2sf) =	vpush v62, $0x0;
	vm2 =	vlt.u32 v10, $0x188000;
	[tilespmem:s0+$0x3000] =	vst.msk vm10, v13  }
0x8b: {  	(v2sf) =	vpush v63, $0x0;
	s11 =	spop (v2sf);
	v14 =	vmpcnt.ones.xlane vm2;
	[tilespmem:s0+$0x4B00] =	vst.msk vm10, v11;
	v11 =	vsub.s32 v29, v2  }
0x8c: {  	s0 =	sadd.s32 s0, s11;
	vm3 =	vlt.u32 v11, $0x188000  }
0x8d: {  	[tilespmem:s0+$0x3000] =	vst.msk vm8, v15;
	v15 =	vsub.s32 v12, v2;
	(v2sf) =	vpush v14, $0x0;
	v12 =	vmpcnt.ones.xlane vm3;
	_ =	sdelay $0x1  }
0x8e: {  	(v2sf) =	vpush v12, $0x0  }
0x8f: {  	v13 =	vsub.s32 v33, v2;
	vm4 =	vlt.u32 v15, $0x188000  }
0x90: {  	vm6 =	vlt.u32 v13, $0x188000;
	v14 =	vmpcnt.ones.xlane vm4  }
0x91: {  	v12 =	vmpcnt.ones.xlane vm6  }
0x92: {  	s13 =	spop (v2sf);
	(v2sf) =	vpush v14, $0x0  }
0x93: {  	s14 =	spop (v2sf);
	(v2sf) =	vpush v12, $0x0  }
0x94: {  	[tilespmem:s0+$0x4B00] =	vst.msk vm8, v36;
	s0 =	sadd.s32 s0, s13  }
0x95: {  	[tilespmem:s0+$0x3000] =	vst.msk vm7, v17  }
0x96: {  	[tilespmem:s0+$0x4B00] =	vst.msk vm7, v60;
	s0 =	sadd.s32 s0, s14  }
0x97: {  	s25 =	spop (v2sf);
	[tilespmem:s0+$0x3000] =	vst.msk vm5, v20  }
0x98: {  	s26 =	spop (v2sf);
	s6 =	sadd.s32 s0, s25;
	[tilespmem:s0+$0x4B00] =	vst.msk vm5, v31  }
0x99: {  	s9 =	spop (v2sf);
	s0 =	simm.s32 $0x400;
	s3 =	sadd.s32 s6, s26;
	[tilespmem:s6+$0x3000] =	vst.msk vm0, v22  }
.LBB2_8:
0x9a: {  	p0 =	sne.s32 s0, $0x2C00;
	[tilespmem:s6+$0x4B00] =	vst.msk vm0, v7;
	s6 =	smov.u32 s0;
	s0 =	sadd.s32 $0x400, s0  }
0x9b: {  	[tilespmem:s3+$0x3000] =	vst.msk vm2, v10;
	s8 =	spop (v2sf)  }
0x9c: {  	[tilespmem:s3+$0x4B00] =	vst.msk vm2, v8;
	s3 =	sadd.s32 s3, s8  }
0x9d: {  	[tilespmem:s3+$0x3000] =	vst.msk vm3, v11;
	s8 =	spop (v2sf)  }
0x9e: {  	[tilespmem:s3+$0x4B00] =	vst.msk vm3, v4;
	s3 =	sadd.s32 s3, s8  }
0x9f: {  	[tilespmem:s3+$0x3000] =	vst.msk vm1, v9  }
0xa0: {  	[tilespmem:s3+$0x4B00] =	vst.msk vm1, v3;
	s3 =	sadd.s32 s3, s9  }
0xa1: {  	[tilespmem:s3+$0x3000] =	vst.msk vm4, v15;
	s8 =	spop (v2sf)  }
0xa2: {  	s9 =	sshra.s32 s6, $0x2;
	[tilespmem:s3+$0x4B00] =	vst.msk vm4, v6;
	s3 =	sadd.s32 s3, s8;
	s6 =	spop (v2sf)  }
0xa3: {  	[tilespmem:s3+$0x3000] =	vst.msk vm6, v13;
	s8 =	sadd.s32 s3, s6  }
0xa4: {  	[tilespmem:s3+$0x4B00] =	vst.msk vm6, v5  }
0xa5: {  	v5 =	vld [tilespmem:s9+$0x40]  }
0xa6: {  	v6 =	vld [tilespmem:s9+$0x30]  }
0xa7: {  	v13 =	vld [tilespmem:s9+$0xE0]  }
0xa8: {  	v3 =	vld [tilespmem:s9+$0x18D0]  }
0xa9: {  	v7 =	vld [tilespmem:s9+$0x20]  }
0xaa: {  	v4 =	vld [tilespmem:s9+$0x18C0]  }
0xab: {  	v8 =	vld [tilespmem:s9+$0x10]  }
0xac: {  	v9 =	vld [tilespmem:s9+$0x0]  }
0xad: {  	v10 =	vld [tilespmem:s9+$0x50]  }
0xae: {  	v15 =	vsub.s32 v6, v2;
	v12 =	vld [tilespmem:s9+$0x1860]  }
0xaf: {  	vm4 =	vlt.u32 v15, $0x188000;
	v6 =	vld [tilespmem:s9+$0x60]  }
0xb0: {  	v16 =	vsub.s32 v5, v2;
	v11 =	vmpcnt.ones.xlane vm4;
	v14 =	vld [tilespmem:s9+$0x1850]  }
0xb1: {  	vm6 =	vlt.u32 v16, $0x188000;
	v18 =	vsub.s32 v8, v2;
	v17 =	vsub.s32 v9, v2;
	v5 =	vld [tilespmem:s9+$0x70]  }
0xb2: {  	v9 =	vmpcnt.ones.xlane vm6;
	vm12 =	vlt.u32 v17, $0x188000;
	v19 =	vld [tilespmem:s9+$0x1840];
	v20 =	vsub.s32 v10, v2  }
0xb3: {  	v21 =	vsub.s32 v7, v2;
	v8 =	vmpcnt.ones.xlane vm12;
	vm5 =	vlt.u32 v20, $0x188000;
	v7 =	vld [tilespmem:s9+$0x80]  }
0xb4: {  	vm13 =	vlt.u32 v18, $0x188000;
	v22 =	vld [tilespmem:s9+$0x1830];
	v23 =	vmpcnt.ones.xlane vm5;
	v24 =	vsub.s32 v6, v2  }
0xb5: {  	vm11 =	vlt.u32 v21, $0x188000;
	v6 =	vmpcnt.ones.xlane vm13;
	vm7 =	vlt.u32 v24, $0x188000;
	v10 =	vld [tilespmem:s9+$0x90]  }
0xb6: {  	v25 =	vmpcnt.ones.xlane vm7;
	v26 =	vsub.s32 v5, v2;
	v5 =	vld [tilespmem:s9+$0xA0];
	(v2sf) =	vpush v8, $0x0  }
0xb7: {  	v8 =	vmpcnt.ones.xlane vm11;
	v27 =	vld [tilespmem:s9+$0x1800];
	vm8 =	vlt.u32 v26, $0x188000;
	(v2sf) =	vpush v6, $0x0  }
0xb8: {  	v28 =	vmpcnt.ones.xlane vm8;
	v29 =	vsub.s32 v7, v2;
	v6 =	vld [tilespmem:s9+$0xB0]  }
0xb9: {  	v30 =	vld [tilespmem:s9+$0x1810];
	vm9 =	vlt.u32 v29, $0x188000;
	(v2sf) =	vpush v8, $0x0  }
0xba: {  	v31 =	vld [tilespmem:s9+$0x1820];
	v32 =	vmpcnt.ones.xlane vm9;
	v33 =	vsub.s32 v10, v2  }
0xbb: {  	vm10 =	vlt.u32 v33, $0x188000;
	v34 =	vld [tilespmem:s9+$0xC0]  }
0xbc: {  	v36 =	vsub.s32 v5, v2;
	v35 =	vmpcnt.ones.xlane vm10;
	v7 =	vld [tilespmem:s9+$0x18A0];
	(v2sf) =	vpush v11, $0x0  }
0xbd: {  	vm0 =	vlt.u32 v36, $0x188000;
	v37 =	vld [tilespmem:s9+$0xD0]  }
0xbe: {  	v38 =	vmpcnt.ones.xlane vm0;
	v10 =	vsub.s32 v6, v2;
	v8 =	vld [tilespmem:s9+$0x18B0];
	(v2sf) =	vpush v9, $0x0  }
0xbf: {  	vm2 =	vlt.u32 v10, $0x188000;
	v39 =	vld [tilespmem:s9+$0x1890]  }
0xc0: {  	v40 =	vmpcnt.ones.xlane vm2;
	v11 =	vsub.s32 v34, v2;
	v5 =	vld [tilespmem:s9+$0x18F0];
	(v2sf) =	vpush v23, $0x0  }
0xc1: {  	vm3 =	vlt.u32 v11, $0x188000;
	v23 =	vld [tilespmem:s9+$0xF0]  }
0xc2: {  	v34 =	vmpcnt.ones.xlane vm3;
	v6 =	vld [tilespmem:s9+$0x18E0];
	(v2sf) =	vpush v25, $0x0  }
0xc3: {  	v25 =	vld [tilespmem:s9+$0x1880]  }
0xc4: {  	v41 =	vld [tilespmem:s9+$0x1870];
	(v2sf) =	vpush v28, $0x0  }
0xc5: {  	v9 =	vsub.s32 v37, v2;
	[tilespmem:s8+$0x3000] =	vst.msk vm12, v17;
	s3 =	spop (v2sf)  }
0xc6: {  	vm1 =	vlt.u32 v9, $0x188000;
	[tilespmem:s8+$0x4B00] =	vst.msk vm12, v27;
	s3 =	sadd.s32 s8, s3;
	s6 =	spop (v2sf);
	(v2sf) =	vpush v32, $0x0  }
0xc7: {  	v17 =	vmpcnt.ones.xlane vm1;
	[tilespmem:s3+$0x3000] =	vst.msk vm13, v18;
	s6 =	sadd.s32 s3, s6;
	(v2sf) =	vpush v35, $0x0  }
0xc8: {  	[tilespmem:s3+$0x4B00] =	vst.msk vm13, v30;
	s3 =	spop (v2sf);
	(v2sf) =	vpush v38, $0x0  }
0xc9: {  	[tilespmem:s6+$0x3000] =	vst.msk vm11, v21;
	(v2sf) =	vpush v17, $0x0  }
0xca: {  	s3 =	sadd.s32 s6, s3;
	[tilespmem:s6+$0x4B00] =	vst.msk vm11, v31  }
0xcb: {  	[tilespmem:s3+$0x3000] =	vst.msk vm4, v15;
	s6 =	spop (v2sf)  }
0xcc: {  	[tilespmem:s3+$0x4B00] =	vst.msk vm4, v22;
	s3 =	sadd.s32 s3, s6;
	(v2sf) =	vpush v40, $0x0  }
0xcd: {  	[tilespmem:s3+$0x3000] =	vst.msk vm6, v16;
	s6 =	spop (v2sf)  }
0xce: {  	v15 =	vsub.s32 v13, v2;
	[tilespmem:s3+$0x4B00] =	vst.msk vm6, v19;
	s3 =	sadd.s32 s3, s6;
	(v2sf) =	vpush v34, $0x0  }
0xcf: {  	v13 =	vsub.s32 v23, v2;
	vm4 =	vlt.u32 v15, $0x188000;
	[tilespmem:s3+$0x3000] =	vst.msk vm5, v20;
	s6 =	spop (v2sf)  }
0xd0: {  	v16 =	vmpcnt.ones.xlane vm4;
	vm6 =	vlt.u32 v13, $0x188000;
	[tilespmem:s3+$0x4B00] =	vst.msk vm5, v14;
	s3 =	sadd.s32 s3, s6  }
0xd1: {  	v14 =	vmpcnt.ones.xlane vm6;
	[tilespmem:s3+$0x3000] =	vst.msk vm7, v24;
	s6 =	spop (v2sf)  }
0xd2: {  	[tilespmem:s3+$0x4B00] =	vst.msk vm7, v12;
	s3 =	sadd.s32 s3, s6;
	(v2sf) =	vpush v16, $0x0  }
0xd3: {  	[tilespmem:s3+$0x3000] =	vst.msk vm8, v26;
	s6 =	spop (v2sf);
	(v2sf) =	vpush v14, $0x0  }
0xd4: {  	[tilespmem:s3+$0x4B00] =	vst.msk vm8, v41;
	s3 =	sadd.s32 s3, s6  }
.Ltmp8:
0xd5: {  	[tilespmem:s3+$0x3000] =	vst.msk vm9, v29;
	s6 =	spop (v2sf);
	(pc) =	sbr.rel @p0 .LBB2_8-.Ltmp8, $4  }
0xd6: {  	[tilespmem:s3+$0x4B00] =	vst.msk vm9, v25;
	s3 =	sadd.s32 s3, s6;
	s6 =	spop (v2sf)  }
0xd7: {  	[tilespmem:s3+$0x3000] =	vst.msk vm10, v33;
	s8 =	spop (v2sf)  }
0xd8: {  	s6 =	sadd.s32 s3, s6;
	[tilespmem:s3+$0x4B00] =	vst.msk vm10, v39;
	s9 =	spop (v2sf)  }
0xd9: {  	s3 =	sadd.s32 s6, s8;
	[tilespmem:s6+$0x3000] =	vst.msk vm0, v36  }
0xda: {  	[tilespmem:s6+$0x4B00] =	vst.msk vm0, v7  }
0xdb: {  	[tilespmem:s3+$0x3000] =	vst.msk vm2, v10;
	s0 =	spop (v2sf)  }
0xdc: {  	[tilespmem:s3+$0x4B00] =	vst.msk vm2, v8;
	s0 =	sadd.s32 s3, s0  }
0xdd: {  	[tilespmem:s0+$0x3000] =	vst.msk vm3, v11;
	s8 =	spop (v2sf)  }
0xde: {  	[tilespmem:s0+$0x4B00] =	vst.msk vm3, v4;
	s0 =	sadd.s32 s0, s8;
	s8 =	smul.u32 $0x1800, s30  }
0xdf: {  	[tilespmem:s0+$0x3000] =	vst.msk vm1, v9  }
0xe0: {  	p1 =	seq.s32 s30, $0x30;
	[tilespmem:s0+$0x4B00] =	vst.msk vm1, v3;
	s0 =	sadd.s32 s0, s9;
	s3 =	sadd.s32 $0x1800, s8  }
0xe1: {  	[tilespmem:s0+$0x3000] =	vst.msk vm4, v15;
	s9 =	spop (v2sf);
	s3 =	simm.s32 @p1 $0x0  }
0xe2: {  	[tilespmem:s0+$0x4B00] =	vst.msk vm4, v6;
	s0 =	sadd.s32 s0, s9;
	s3 =	sadd.s32 s7, s3  }
0xe3: {  	[tilespmem:s0+$0x3000] =	vst.msk vm6, v13;
	s3 =	sshrl.u32 s3, $0x3  }
0xe4: {  	s11 =	spop (v2sf);
	[tilespmem:s0+$0x4B00] =	vst.msk vm6, v5;
	s10 =	sadd.s32 s5, s3  }
0xe5: {  	[tilespmem:s4], [sflag:$0x1] =	stream.linear.gather [hbm4b:s10+s4], $0xC00, $0x38;
	[tilespmem:$0x1FC00] =	vst v63  }
0xe6: {  	s10 =	sadd.s32 s0, s11  }
0xe7: {  	s14 =	sand.u32 $0x7F, s10  }
0xe8: {  	s25 =	sshra.s32 s10, $0x1F;
	p0 =	slt.s32 s10, $0x1;
	p2 =	sne.s32 s14, $0x0  }
0xe9: {  	s13 =	sadd.s32 s1, s3;
	s26 =	sshrl.u32 s25, $0x19;
	p0 =	por !p0, !p2  }
0xea: {  	s3 =	simm.s32 $0x1;
	s0 =	sadd.s32 s26, s10;
	p2 =	por !p0, !p0  }
0xeb: {  	s9 =	sshra.s32 s0, $0x7;
	s3 =	simm.s32 @!p2 $0x0  }
0xec: {  	s0 =	ssub.s32 s9, s3  }
0xed: {  	p0 =	sgt.s32 s0, $0x0  }
.Ltmp9:
0xee: {  	_ = 	snop;
	(pc) =	sbr.rel @!p0 .LBB2_12-.Ltmp9, $2  }
0xef: {  	_ =	sdelay $0x2  }
0xf0: {  	[tilespmem:s15], [sflag:$0x1] =	stream.linear.gather [hbm4b:s13+s4], $0xC00, $0x38;
	[tilespmem:$0x1FC00] =	vst v63  }
0xf1: {  	p3 =	seq.s32 s0, $0x1  }
.Ltmp10:
0xf2: {  	_ = 	snop;
	(pc) =	sbr.rel @p3 .LBB2_12-.Ltmp10, $3  }
0xf3: {  	_ =	sdelay $0x1  }
0xf4: {  	s3 =	simm.s32 $0x4B00;
	s6 =	simm.s32 $0x3000;
	s11 =	sadd.s32 $0xFFFFFFFF, s0  }
0xf5: {  	[spmem:s2] =	stream.indirect.scatter.add.f32 [tilespmem:s3], [sflag:$0x3], $0x1, s6, s21, $0xb8;
	[tilespmem:$0x1FC00] =	vst v63  }
.LBB2_11:
0xf6: {  	p3 =	seq.s32 s11, $0x1  }
.Ltmp11:
0xf7: {  	_ = 	snop;
	(pc) =	sbr.rel @!p3 .LBB2_11-.Ltmp11, $4  }
0xf8: {  	_ = 	snop  }
0xf9: {  	s3 =	sadd.s32 $0x80, s3;
	s6 =	sadd.s32 $0x80, s6  }
0xfa: {  	s11 =	sadd.s32 $0xFFFFFFFF, s11  }
0xfb: {  	[spmem:s2] =	stream.indirect.scatter.add.f32 [tilespmem:s3], [sflag:$0x3], $0x1, s6, s21, $0xb8;
	[tilespmem:$0x1FC00] =	vst v63  }
.LBB2_12:
0xfc: {  	p3 =	sgt.s32 s31, $0x0  }
.Ltmp12:
0xfd: {  	_ = 	snop;
	(pc) =	sbr.rel @!p3 .LBB2_16-.Ltmp12, $1  }
0xfe: {  	_ =	sdelay $0x3  }
0xff: {  	p3 =	sne.s32 s31, $0x1  }
.Ltmp13:
0x100: {  	_ = 	snop;
	(pc) =	sbr.rel @!p3 .LBB2_15-.Ltmp13, $3  }
0x101: {  	_ =	sdelay $0x1  }
0x102: {  	_ =	swait.ge [sflag:s22], $0x80  }
0x103: {  	s3 =	sadd.s32 $0xFFFFFFFF, s31;
	[sflag:s22] =	ssyncset.done $0x0  }
.LBB2_14:
0x104: {  	p3 =	sne.s32 s3, $0x1;
	s3 =	sadd.s32 $0xFFFFFFFF, s3;
	[sflag:s22] =	ssyncadd.s32 $0xFFFFFF80  }
.Ltmp14:
0x105: {  	(pc) =	sbr.rel @p3 .LBB2_14-.Ltmp14, $3  }
0x106: {  	_ =	sdelay $0x1  }
0x107: {  	_ =	swait.ge [sflag:s22], $0x80  }
0x108: {  	[sflag:s22] =	ssyncset.done $0x0  }
.LBB2_15:
0x109: {  	[sflag:s22] =	ssyncadd.s32 $0xFFFFFF80  }
.LBB2_16:
0x10a: {  	s3 =	sshll.u32 s0, $0x7  }
0x10b: {  	s31 =	ssub.s32 s10, s3  }
0x10c: {  	s3 =	sadd.s32 $0xF, s31  }
0x10d: {  	s6 =	sand.u32 $0xF, s3  }
0x10e: {  	s26 =	sshra.s32 s3, $0x1F;
	p4 =	slt.s32 s3, $0x1;
	p3 =	sne.s32 s6, $0x0  }
0x10f: {  	s6 =	sshrl.u32 s26, $0x1C;
	p3 =	por !p4, !p3  }
0x110: {  	s3 =	sadd.s32 s6, s3;
	s6 =	simm.s32 $0x1;
	p3 =	por !p3, !p3  }
0x111: {  	s3 =	sshra.s32 s3, $0x4;
	s6 =	simm.s32 @!p3 $0x0  }
0x112: {  	s3 =	ssub.s32 s3, s6  }
0x113: {  	p3 =	slt.s32 s3, $0x1  }
.Ltmp15:
0x114: {  	_ = 	snop;
	(pc) =	sbr.rel @p3 .LBB2_34-.Ltmp15, $1  }
0x115: {  	_ =	sdelay $0x3  }
0x116: {  	p3 =	sne.s32 s3, $0x1  }
.Ltmp16:
0x117: {  	s6 =	simm.s32 $0xFFFFFFFF;
	(pc) =	sbr.rel @!p3 .LBB2_18-.Ltmp16, $4  }
0x118: {  	s6 =	simm.s32 @!p2 $0x0  }
0x119: {  	s9 =	sshll.u32 s9, $0x7;
	s10 =	simm.s32 $0x3D80;
	s6 =	sshll.u32 s6, $0x7  }
0x11a: {  	s11 =	simm.s32 $0x0;
	s3 =	sadd.s32 $0xFFFFFFFF, s3;
	s14 =	sadd.s32 s6, s9  }
0x11b: {  	p2 =	por $0x0, $0x0;
	s9 =	simm.s32 $0x5880;
	s13 =	sadd.s32 $0x0, s14  }
0x11c: {  	s6 =	sand.u32 $0xFFFFFF80, s13;
	s11 =	sand.u32 $0x70, s11  }
0x11d: {  	s26 =	sor.u32 s11, s6  }
0x11e: {  	v3 =	vld [tilespmem:s26+$0x3000];
	_ =	sdelay $0x3  }
0x11f: {  	p3 =	sne.s32 s3, $0x1  }
.Ltmp17:
0x120: {  	[tilespmem:s10+$0x0] =	vst v3;
	(pc) =	sbr.rel @!p3 .LBB2_31-.Ltmp17, $3  }
0x121: {  	v3 =	vld [tilespmem:s26+$0x4B00];
	_ =	sdelay $0x1  }
0x122: {  	s13 =	sadd.s32 $0x10, s14;
	p2 =	por $0x1, $0x1;
	s11 =	simm.s32 $0x10  }
0x123: {  	s6 =	sadd.s32 $0xFFFFFFFF, s3;
	s3 =	simm.s32 $0x3D80;
	s26 =	simm.s32 $0x5880  }
.LBB2_32:
0x124: {  	p3 =	sne.s32 s6, $0x1;
	s13 =	sand.u32 $0xFFFFFF80, s13;
	s25 =	sand.u32 $0x70, s11  }
0x125: {  	s13 =	sor.u32 s25, s13;
	[tilespmem:s26+$0x0] =	vst v3  }
0x126: {  	v3 =	vld [tilespmem:s13+$0x3000];
	_ =	sdelay $0x3  }
0x127: {  	s3 =	sadd.s32 $0x10, s3  }
.Ltmp18:
0x128: {  	[tilespmem:s3+$0x0] =	vst v3;
	(pc) =	sbr.rel @p3 .LBB2_32-.Ltmp18, $3  }
0x129: {  	v3 =	vld [tilespmem:s13+$0x4B00];
	_ =	sdelay $0x1  }
0x12a: {  	s11 =	sadd.s32 $0x10, s11  }
0x12b: {  	s6 =	sadd.s32 $0xFFFFFFFF, s6;
	s26 =	sadd.s32 $0x10, s26;
	s13 =	sadd.s32 s11, s14  }
.LBB2_33:
0x12c: {  	s6 =	sand.u32 $0xFFFFFF80, s13;
	s11 =	sand.u32 $0x70, s11  }
0x12d: {  	s6 =	sor.u32 s11, s6;
	[tilespmem:s26+$0x0] =	vst @p2 v3  }
0x12e: {  	v3 =	vld [tilespmem:s6+$0x3000];
	_ =	sdelay $0x2  }
0x12f: {  	s3 =	sadd.s32 @p2 $0x10, s3  }
0x130: {  	s10 =	smov.u32 @p2 s3  }
0x131: {  	[tilespmem:s10+$0x0] =	vst v3  }
0x132: {  	v3 =	vld [tilespmem:s6+$0x4B00];
	_ =	sdelay $0x2  }
0x133: {  	s3 =	sadd.s32 @p2 $0x10, s26  }
0x134: {  	s9 =	smov.u32 @p2 s3  }
0x135: {  	[tilespmem:s9+$0x0] =	vst v3  }
.LBB2_34:
0x136: {  	_ =	swait.ge [sflag:s23], $0xC00  }
0x137: {  	[sflag:s23] =	ssyncset.done $0x0  }
0x138: {  	[sflag:s23] =	ssyncadd.s32 $0xFFFFF400  }
0x139: {  	_ =	swait.ge [sflag:s23], $0xC00  }
0x13a: {  	[sflag:s23] =	ssyncset.done $0x0  }
0x13b: {  	s9 =	simm.s32 $0x0;
	[sflag:s23] =	ssyncadd.s32 $0xFFFFF400  }
0x13c: {  	v5 =	vld [tilespmem:s9+$0xC40]  }
0x13d: {  	v6 =	vld [tilespmem:s9+$0xC30]  }
0x13e: {  	v12 =	vld [tilespmem:s9+$0xCE0]  }
0x13f: {  	v3 =	vld [tilespmem:s9+$0x24D0]  }
0x140: {  	v7 =	vld [tilespmem:s9+$0xC20]  }
0x141: {  	v4 =	vld [tilespmem:s9+$0x24C0]  }
0x142: {  	v8 =	vld [tilespmem:s9+$0xC10]  }
0x143: {  	v9 =	vld [tilespmem:s9+$0xC00]  }
0x144: {  	v10 =	vld [tilespmem:s9+$0xC50]  }
0x145: {  	v11 =	vld [tilespmem:s9+$0x2460]  }
0x146: {  	v13 =	vld [tilespmem:s9+$0xC60]  }
0x147: {  	v14 =	vld [tilespmem:s9+$0x2450]  }
0x148: {  	v15 =	vld [tilespmem:s9+$0xC70];
	v9 =	vsub.s32 v9, v2  }
0x149: {  	v16 =	vld [tilespmem:s9+$0x2440];
	vm1 =	vlt.u32 v9, $0x188000  }
0x14a: {  	v17 =	vld [tilespmem:s9+$0xC80];
	v18 =	vsub.s32 v8, v2;
	v8 =	vmpcnt.ones.xlane vm1  }
0x14b: {  	v19 =	vld [tilespmem:s9+$0x2430];
	vm2 =	vlt.u32 v18, $0x188000  }
0x14c: {  	v20 =	vld [tilespmem:s9+$0xC90];
	v21 =	vsub.s32 v7, v2;
	v7 =	vmpcnt.ones.xlane vm2;
	(v2sf) =	vpush v8, $0x0  }
0x14d: {  	v22 =	vld [tilespmem:s9+$0xCA0];
	vm3 =	vlt.u32 v21, $0x188000  }
0x14e: {  	v23 =	vld [tilespmem:s9+$0x2400];
	v24 =	vsub.s32 v6, v2;
	v6 =	vmpcnt.ones.xlane vm3;
	(v2sf) =	vpush v7, $0x0  }
0x14f: {  	v25 =	vld [tilespmem:s9+$0xCB0];
	vm4 =	vlt.u32 v24, $0x188000  }
0x150: {  	v26 =	vld [tilespmem:s9+$0x2410];
	v27 =	vsub.s32 v5, v2;
	v7 =	vmpcnt.ones.xlane vm4;
	(v2sf) =	vpush v6, $0x0  }
0x151: {  	v28 =	vld [tilespmem:s9+$0x2420];
	vm6 =	vlt.u32 v27, $0x188000  }
0x152: {  	v29 =	vld [tilespmem:s9+$0xCC0];
	v10 =	vsub.s32 v10, v2;
	v5 =	vmpcnt.ones.xlane vm6;
	(v2sf) =	vpush v7, $0x0  }
0x153: {  	v30 =	vld [tilespmem:s9+$0xCD0];
	vm9 =	vlt.u32 v10, $0x188000  }
0x154: {  	v31 =	vld [tilespmem:s9+$0x2490];
	v7 =	vmpcnt.ones.xlane vm9;
	(v2sf) =	vpush v5, $0x0  }
0x155: {  	v33 =	vld [tilespmem:s9+$0xCF0];
	v13 =	vsub.s32 v13, v2  }
0x156: {  	v60 =	vld [tilespmem:s9+$0x2480];
	v15 =	vsub.s32 v15, v2;
	vm10 =	vlt.u32 v13, $0x188000;
	(v2sf) =	vpush v7, $0x0  }
0x157: {  	v36 =	vld [tilespmem:s9+$0x2470];
	v17 =	vsub.s32 v17, v2;
	vm8 =	vlt.u32 v15, $0x188000;
	v32 =	vmpcnt.ones.xlane vm10  }
0x158: {  	vm7 =	vlt.u32 v17, $0x188000;
	v34 =	vmpcnt.ones.xlane vm8;
	v8 =	vld [tilespmem:s9+$0x24B0]  }
0x159: {  	v35 =	vmpcnt.ones.xlane vm7;
	v6 =	vld [tilespmem:s9+$0x24A0];
	(v2sf) =	vpush v32, $0x0  }
0x15a: {  	v5 =	vld [tilespmem:s9+$0x24F0];
	(v2sf) =	vpush v34, $0x0  }
0x15b: {  	v7 =	vld [tilespmem:s9+$0x24E0];
	[tilespmem:s31+$0x3D80] =	vst.msk vm1, v9;
	s3 =	spop (v2sf);
	(v2sf) =	vpush v35, $0x0  }
0x15c: {  	[tilespmem:s31+$0x5880] =	vst.msk vm1, v23;
	s3 =	sadd.s32 s31, s3  }
0x15d: {  	v20 =	vsub.s32 v20, v2;
	s6 =	spop (v2sf);
	[tilespmem:s3+$0x3D80] =	vst.msk vm2, v18  }
0x15e: {  	v22 =	vsub.s32 v22, v2;
	vm5 =	vlt.u32 v20, $0x188000;
	s6 =	sadd.s32 s3, s6;
	[tilespmem:s3+$0x5880] =	vst.msk vm2, v26  }
0x15f: {  	vm0 =	vlt.u32 v22, $0x188000;
	v61 =	vmpcnt.ones.xlane vm5;
	s26 =	spop (v2sf);
	[tilespmem:s6+$0x3D80] =	vst.msk vm3, v21  }
0x160: {  	v62 =	vmpcnt.ones.xlane vm0;
	s3 =	sadd.s32 s6, s26;
	[tilespmem:s6+$0x5880] =	vst.msk vm3, v28  }
0x161: {  	(v2sf) =	vpush v61, $0x0;
	s9 =	spop (v2sf);
	[tilespmem:s3+$0x3D80] =	vst.msk vm4, v24  }
0x162: {  	(v2sf) =	vpush v62, $0x0;
	[tilespmem:s3+$0x5880] =	vst.msk vm4, v19;
	s3 =	sadd.s32 s3, s9  }
0x163: {  	s10 =	spop (v2sf);
	[tilespmem:s3+$0x3D80] =	vst.msk vm6, v27  }
0x164: {  	v9 =	vsub.s32 v30, v2;
	[tilespmem:s3+$0x5880] =	vst.msk vm6, v16;
	s3 =	sadd.s32 s3, s10  }
0x165: {  	vm1 =	vlt.u32 v9, $0x188000;
	s11 =	spop (v2sf);
	[tilespmem:s3+$0x3D80] =	vst.msk vm9, v10  }
0x166: {  	v63 =	vmpcnt.ones.xlane vm1;
	v10 =	vsub.s32 v25, v2;
	[tilespmem:s3+$0x5880] =	vst.msk vm9, v14;
	s3 =	sadd.s32 s3, s11  }
0x167: {  	vm2 =	vlt.u32 v10, $0x188000;
	[tilespmem:s3+$0x3D80] =	vst.msk vm10, v13  }
0x168: {  	(v2sf) =	vpush v63, $0x0;
	s13 =	spop (v2sf);
	v14 =	vmpcnt.ones.xlane vm2;
	[tilespmem:s3+$0x5880] =	vst.msk vm10, v11;
	v11 =	vsub.s32 v29, v2  }
0x169: {  	s14 =	spop (v2sf);
	s3 =	sadd.s32 s3, s13;
	vm3 =	vlt.u32 v11, $0x188000  }
0x16a: {  	[tilespmem:s3+$0x3D80] =	vst.msk vm8, v15;
	v15 =	vsub.s32 v12, v2;
	v12 =	vmpcnt.ones.xlane vm3;
	s25 =	spop (v2sf);
	(v2sf) =	vpush v14, $0x0;
	_ =	sdelay $0x1  }
0x16b: {  	(v2sf) =	vpush v12, $0x0  }
0x16c: {  	v13 =	vsub.s32 v33, v2;
	vm6 =	vlt.u32 v15, $0x188000  }
0x16d: {  	vm4 =	vlt.u32 v13, $0x188000;
	v14 =	vmpcnt.ones.xlane vm6  }
0x16e: {  	v12 =	vmpcnt.ones.xlane vm4  }
0x16f: {  	s26 =	spop (v2sf);
	(v2sf) =	vpush v14, $0x0  }
0x170: {  	s10 =	spop (v2sf);
	(v2sf) =	vpush v12, $0x0  }
0x171: {  	[tilespmem:s3+$0x5880] =	vst.msk vm8, v36;
	s3 =	sadd.s32 s3, s14  }
0x172: {  	[tilespmem:s3+$0x3D80] =	vst.msk vm7, v17  }
0x173: {  	[tilespmem:s3+$0x5880] =	vst.msk vm7, v60;
	s3 =	sadd.s32 s3, s25  }
0x174: {  	[tilespmem:s3+$0x3D80] =	vst.msk vm5, v20  }
0x175: {  	s6 =	sadd.s32 s3, s26;
	[tilespmem:s3+$0x5880] =	vst.msk vm5, v31  }
0x176: {  	s31 =	simm.s32 $0x400;
	s9 =	spop (v2sf);
	s3 =	sadd.s32 s6, s10;
	[tilespmem:s6+$0x3D80] =	vst.msk vm0, v22  }
.LBB2_35:
0x177: {  	p2 =	sne.s32 s31, $0x2C00;
	[tilespmem:s6+$0x5880] =	vst.msk vm0, v6;
	s6 =	smov.u32 s31;
	s31 =	sadd.s32 $0x400, s31  }
0x178: {  	[tilespmem:s3+$0x3D80] =	vst.msk vm2, v10;
	s10 =	spop (v2sf)  }
0x179: {  	[tilespmem:s3+$0x5880] =	vst.msk vm2, v8;
	s3 =	sadd.s32 s3, s10  }
0x17a: {  	[tilespmem:s3+$0x3D80] =	vst.msk vm3, v11;
	s10 =	spop (v2sf)  }
0x17b: {  	[tilespmem:s3+$0x5880] =	vst.msk vm3, v4;
	s3 =	sadd.s32 s3, s10  }
0x17c: {  	[tilespmem:s3+$0x3D80] =	vst.msk vm1, v9  }
0x17d: {  	[tilespmem:s3+$0x5880] =	vst.msk vm1, v3;
	s3 =	sadd.s32 s3, s9  }
0x17e: {  	[tilespmem:s3+$0x3D80] =	vst.msk vm6, v15;
	s9 =	spop (v2sf)  }
0x17f: {  	s10 =	sshra.s32 s6, $0x2;
	[tilespmem:s3+$0x5880] =	vst.msk vm6, v7;
	s3 =	sadd.s32 s3, s9;
	s6 =	spop (v2sf)  }
0x180: {  	[tilespmem:s3+$0x3D80] =	vst.msk vm4, v13;
	s9 =	sadd.s32 s3, s6  }
0x181: {  	[tilespmem:s3+$0x5880] =	vst.msk vm4, v5  }
0x182: {  	v5 =	vld [tilespmem:s10+$0xC40]  }
0x183: {  	v6 =	vld [tilespmem:s10+$0xC30]  }
0x184: {  	v13 =	vld [tilespmem:s10+$0xCE0]  }
0x185: {  	v3 =	vld [tilespmem:s10+$0x24D0]  }
0x186: {  	v7 =	vld [tilespmem:s10+$0xC20]  }
0x187: {  	v4 =	vld [tilespmem:s10+$0x24C0]  }
0x188: {  	v8 =	vld [tilespmem:s10+$0xC10]  }
0x189: {  	v9 =	vld [tilespmem:s10+$0xC00]  }
0x18a: {  	v10 =	vld [tilespmem:s10+$0xC50]  }
0x18b: {  	v15 =	vsub.s32 v6, v2;
	v12 =	vld [tilespmem:s10+$0x2460]  }
0x18c: {  	vm4 =	vlt.u32 v15, $0x188000;
	v6 =	vld [tilespmem:s10+$0xC60]  }
0x18d: {  	v16 =	vsub.s32 v5, v2;
	v11 =	vmpcnt.ones.xlane vm4;
	v14 =	vld [tilespmem:s10+$0x2450]  }
0x18e: {  	vm6 =	vlt.u32 v16, $0x188000;
	v18 =	vsub.s32 v8, v2;
	v17 =	vsub.s32 v9, v2;
	v5 =	vld [tilespmem:s10+$0xC70]  }
0x18f: {  	v9 =	vmpcnt.ones.xlane vm6;
	vm12 =	vlt.u32 v17, $0x188000;
	v19 =	vld [tilespmem:s10+$0x2440];
	v20 =	vsub.s32 v10, v2  }
0x190: {  	v21 =	vsub.s32 v7, v2;
	v8 =	vmpcnt.ones.xlane vm12;
	vm5 =	vlt.u32 v20, $0x188000;
	v7 =	vld [tilespmem:s10+$0xC80]  }
0x191: {  	vm13 =	vlt.u32 v18, $0x188000;
	v22 =	vld [tilespmem:s10+$0x2430];
	v23 =	vmpcnt.ones.xlane vm5;
	v24 =	vsub.s32 v6, v2  }
0x192: {  	vm11 =	vlt.u32 v21, $0x188000;
	v6 =	vmpcnt.ones.xlane vm13;
	vm7 =	vlt.u32 v24, $0x188000;
	v10 =	vld [tilespmem:s10+$0xC90]  }
0x193: {  	v25 =	vmpcnt.ones.xlane vm7;
	v26 =	vsub.s32 v5, v2;
	v5 =	vld [tilespmem:s10+$0xCA0];
	(v2sf) =	vpush v8, $0x0  }
0x194: {  	v8 =	vmpcnt.ones.xlane vm11;
	v27 =	vld [tilespmem:s10+$0x2400];
	vm8 =	vlt.u32 v26, $0x188000;
	(v2sf) =	vpush v6, $0x0  }
0x195: {  	v28 =	vmpcnt.ones.xlane vm8;
	v29 =	vsub.s32 v7, v2;
	v7 =	vld [tilespmem:s10+$0xCB0]  }
0x196: {  	v30 =	vld [tilespmem:s10+$0x2410];
	vm9 =	vlt.u32 v29, $0x188000;
	(v2sf) =	vpush v8, $0x0  }
0x197: {  	v31 =	vld [tilespmem:s10+$0x2420];
	v32 =	vmpcnt.ones.xlane vm9;
	v33 =	vsub.s32 v10, v2  }
0x198: {  	vm10 =	vlt.u32 v33, $0x188000;
	v34 =	vld [tilespmem:s10+$0xCC0]  }
0x199: {  	v36 =	vsub.s32 v5, v2;
	v35 =	vmpcnt.ones.xlane vm10;
	v6 =	vld [tilespmem:s10+$0x24A0];
	(v2sf) =	vpush v11, $0x0  }
0x19a: {  	vm0 =	vlt.u32 v36, $0x188000;
	v37 =	vld [tilespmem:s10+$0xCD0]  }
0x19b: {  	v38 =	vmpcnt.ones.xlane vm0;
	v10 =	vsub.s32 v7, v2;
	v8 =	vld [tilespmem:s10+$0x24B0];
	(v2sf) =	vpush v9, $0x0  }
0x19c: {  	vm2 =	vlt.u32 v10, $0x188000;
	v39 =	vld [tilespmem:s10+$0x2490]  }
0x19d: {  	v40 =	vmpcnt.ones.xlane vm2;
	v11 =	vsub.s32 v34, v2;
	v5 =	vld [tilespmem:s10+$0x24F0];
	(v2sf) =	vpush v23, $0x0  }
0x19e: {  	vm3 =	vlt.u32 v11, $0x188000;
	v23 =	vld [tilespmem:s10+$0xCF0]  }
0x19f: {  	v34 =	vmpcnt.ones.xlane vm3;
	v7 =	vld [tilespmem:s10+$0x24E0];
	(v2sf) =	vpush v25, $0x0  }
0x1a0: {  	v25 =	vld [tilespmem:s10+$0x2480]  }
0x1a1: {  	v41 =	vld [tilespmem:s10+$0x2470];
	(v2sf) =	vpush v28, $0x0  }
0x1a2: {  	v9 =	vsub.s32 v37, v2;
	[tilespmem:s9+$0x3D80] =	vst.msk vm12, v17;
	s3 =	spop (v2sf)  }
0x1a3: {  	vm1 =	vlt.u32 v9, $0x188000;
	[tilespmem:s9+$0x5880] =	vst.msk vm12, v27;
	s3 =	sadd.s32 s9, s3;
	s6 =	spop (v2sf);
	(v2sf) =	vpush v32, $0x0  }
0x1a4: {  	v17 =	vmpcnt.ones.xlane vm1;
	[tilespmem:s3+$0x3D80] =	vst.msk vm13, v18;
	s6 =	sadd.s32 s3, s6;
	(v2sf) =	vpush v35, $0x0  }
0x1a5: {  	[tilespmem:s3+$0x5880] =	vst.msk vm13, v30;
	s3 =	spop (v2sf);
	(v2sf) =	vpush v38, $0x0  }
0x1a6: {  	[tilespmem:s6+$0x3D80] =	vst.msk vm11, v21;
	(v2sf) =	vpush v17, $0x0  }
0x1a7: {  	s3 =	sadd.s32 s6, s3;
	[tilespmem:s6+$0x5880] =	vst.msk vm11, v31  }
0x1a8: {  	[tilespmem:s3+$0x3D80] =	vst.msk vm4, v15;
	s6 =	spop (v2sf)  }
0x1a9: {  	[tilespmem:s3+$0x5880] =	vst.msk vm4, v22;
	s3 =	sadd.s32 s3, s6;
	(v2sf) =	vpush v40, $0x0  }
0x1aa: {  	[tilespmem:s3+$0x3D80] =	vst.msk vm6, v16;
	s6 =	spop (v2sf)  }
0x1ab: {  	v15 =	vsub.s32 v13, v2;
	[tilespmem:s3+$0x5880] =	vst.msk vm6, v19;
	s3 =	sadd.s32 s3, s6;
	(v2sf) =	vpush v34, $0x0  }
0x1ac: {  	v13 =	vsub.s32 v23, v2;
	vm6 =	vlt.u32 v15, $0x188000;
	[tilespmem:s3+$0x3D80] =	vst.msk vm5, v20;
	s6 =	spop (v2sf)  }
0x1ad: {  	vm4 =	vlt.u32 v13, $0x188000;
	v16 =	vmpcnt.ones.xlane vm6;
	[tilespmem:s3+$0x5880] =	vst.msk vm5, v14;
	s3 =	sadd.s32 s3, s6  }
0x1ae: {  	v14 =	vmpcnt.ones.xlane vm4;
	[tilespmem:s3+$0x3D80] =	vst.msk vm7, v24;
	s6 =	spop (v2sf)  }
0x1af: {  	[tilespmem:s3+$0x5880] =	vst.msk vm7, v12;
	s3 =	sadd.s32 s3, s6;
	(v2sf) =	vpush v16, $0x0  }
0x1b0: {  	[tilespmem:s3+$0x3D80] =	vst.msk vm8, v26;
	s6 =	spop (v2sf);
	(v2sf) =	vpush v14, $0x0  }
0x1b1: {  	[tilespmem:s3+$0x5880] =	vst.msk vm8, v41;
	s3 =	sadd.s32 s3, s6  }
.Ltmp19:
0x1b2: {  	[tilespmem:s3+$0x3D80] =	vst.msk vm9, v29;
	s6 =	spop (v2sf);
	(pc) =	sbr.rel @p2 .LBB2_35-.Ltmp19, $4  }
0x1b3: {  	[tilespmem:s3+$0x5880] =	vst.msk vm9, v25;
	s3 =	sadd.s32 s3, s6;
	s6 =	spop (v2sf)  }
0x1b4: {  	[tilespmem:s3+$0x3D80] =	vst.msk vm10, v33;
	s10 =	spop (v2sf)  }
0x1b5: {  	s6 =	sadd.s32 s3, s6;
	[tilespmem:s3+$0x5880] =	vst.msk vm10, v39;
	s9 =	spop (v2sf)  }
0x1b6: {  	s3 =	sadd.s32 s6, s10;
	[tilespmem:s6+$0x3D80] =	vst.msk vm0, v36  }
0x1b7: {  	[tilespmem:s6+$0x5880] =	vst.msk vm0, v6  }
0x1b8: {  	[tilespmem:s3+$0x3D80] =	vst.msk vm2, v10;
	s14 =	spop (v2sf)  }
0x1b9: {  	[tilespmem:s3+$0x5880] =	vst.msk vm2, v8;
	s25 =	sadd.s32 s3, s14  }
0x1ba: {  	[tilespmem:s25+$0x3D80] =	vst.msk vm3, v11;
	s26 =	spop (v2sf)  }
0x1bb: {  	[tilespmem:s25+$0x5880] =	vst.msk vm3, v4;
	s3 =	sadd.s32 s25, s26  }
0x1bc: {  	[tilespmem:s3+$0x3D80] =	vst.msk vm1, v9  }
0x1bd: {  	s6 =	sadd.s32 $0x2400, s8;
	[tilespmem:s3+$0x5880] =	vst.msk vm1, v3;
	s3 =	sadd.s32 s3, s9  }
0x1be: {  	s6 =	simm.s32 @p1 $0xC00;
	[tilespmem:s3+$0x3D80] =	vst.msk vm6, v15;
	s9 =	spop (v2sf)  }
0x1bf: {  	s6 =	sadd.s32 s7, s6;
	[tilespmem:s3+$0x5880] =	vst.msk vm6, v7;
	s3 =	sadd.s32 s3, s9;
	s10 =	spop (v2sf)  }
0x1c0: {  	s6 =	sshrl.u32 s6, $0x3;
	s9 =	sadd.s32 s3, s10  }
0x1c1: {  	s11 =	sadd.s32 s5, s6;
	s14 =	sand.u32 $0x7F, s9  }
0x1c2: {  	s25 =	sshra.s32 s9, $0x1F;
	p6 =	slt.s32 s9, $0x1;
	p2 =	sne.s32 s14, $0x0  }
0x1c3: {  	s13 =	sadd.s32 s1, s6;
	[tilespmem:s3+$0x3D80] =	vst.msk vm4, v13;
	s26 =	sshrl.u32 s25, $0x19;
	p1 =	por !p6, !p2  }
0x1c4: {  	s6 =	simm.s32 $0x1;
	[tilespmem:s3+$0x5880] =	vst.msk vm4, v5;
	s3 =	sadd.s32 s26, s9;
	p2 =	por !p1, !p1  }
0x1c5: {  	s8 =	sshra.s32 s3, $0x7;
	s6 =	simm.s32 @!p2 $0x0  }
0x1c6: {  	s31 =	ssub.s32 s8, s6  }
0x1c7: {  	p1 =	sgt.s32 s31, $0x0  }
.Ltmp20:
0x1c8: {  	_ = 	snop;
	(pc) =	sbr.rel @!p1 .LBB2_39-.Ltmp20, $4  }
0x1c9: {  	_ = 	snop  }
0x1ca: {  	[tilespmem:s16], [sflag:$0x2] =	stream.linear.gather [hbm4b:s11+s4], $0xC00, $0x38;
	[tilespmem:$0x1FC00] =	vst v63  }
0x1cb: {  	_ = 	snop  }
0x1cc: {  	[tilespmem:s17], [sflag:$0x2] =	stream.linear.gather [hbm4b:s13+s4], $0xC00, $0x38;
	[tilespmem:$0x1FC00] =	vst v63  }
0x1cd: {  	p3 =	seq.s32 s31, $0x1  }
.Ltmp21:
0x1ce: {  	_ = 	snop;
	(pc) =	sbr.rel @p3 .LBB2_39-.Ltmp21, $3  }
0x1cf: {  	_ =	sdelay $0x1  }
0x1d0: {  	s3 =	simm.s32 $0x5880;
	s6 =	simm.s32 $0x3D80;
	s10 =	sadd.s32 $0xFFFFFFFF, s31  }
0x1d1: {  	[spmem:s2] =	stream.indirect.scatter.add.f32 [tilespmem:s3], [sflag:$0x4], $0x1, s6, s21, $0xb8;
	[tilespmem:$0x1FC00] =	vst v63  }
.LBB2_38:
0x1d2: {  	p3 =	seq.s32 s10, $0x1  }
.Ltmp22:
0x1d3: {  	_ = 	snop;
	(pc) =	sbr.rel @!p3 .LBB2_38-.Ltmp22, $4  }
0x1d4: {  	_ = 	snop  }
0x1d5: {  	s3 =	sadd.s32 $0x80, s3;
	s6 =	sadd.s32 $0x80, s6  }
0x1d6: {  	s10 =	sadd.s32 $0xFFFFFFFF, s10  }
0x1d7: {  	[spmem:s2] =	stream.indirect.scatter.add.f32 [tilespmem:s3], [sflag:$0x4], $0x1, s6, s21, $0xb8;
	[tilespmem:$0x1FC00] =	vst v63  }
.LBB2_39:
.Ltmp23:
0x1d8: {  	(pc) =	sbr.rel @!p0 .LBB2_43-.Ltmp23, $1  }
0x1d9: {  	_ =	sdelay $0x3  }
0x1da: {  	p0 =	sne.s32 s0, $0x1  }
.Ltmp24:
0x1db: {  	_ = 	snop;
	(pc) =	sbr.rel @!p0 .LBB2_42-.Ltmp24, $3  }
0x1dc: {  	_ =	sdelay $0x1  }
0x1dd: {  	_ =	swait.ge [sflag:s24], $0x80  }
0x1de: {  	s0 =	sadd.s32 $0xFFFFFFFF, s0;
	[sflag:s24] =	ssyncset.done $0x0  }
.LBB2_41:
0x1df: {  	p0 =	sne.s32 s0, $0x1;
	s0 =	sadd.s32 $0xFFFFFFFF, s0;
	[sflag:s24] =	ssyncadd.s32 $0xFFFFFF80  }
.Ltmp25:
0x1e0: {  	(pc) =	sbr.rel @p0 .LBB2_41-.Ltmp25, $3  }
0x1e1: {  	_ =	sdelay $0x1  }
0x1e2: {  	_ =	swait.ge [sflag:s24], $0x80  }
0x1e3: {  	[sflag:s24] =	ssyncset.done $0x0  }
.LBB2_42:
0x1e4: {  	[sflag:s24] =	ssyncadd.s32 $0xFFFFFF80  }
.LBB2_43:
0x1e5: {  	s0 =	sshll.u32 s31, $0x7  }
0x1e6: {  	s0 =	ssub.s32 s9, s0  }
0x1e7: {  	s3 =	sadd.s32 $0xF, s0  }
0x1e8: {  	s6 =	sand.u32 $0xF, s3  }
0x1e9: {  	s26 =	sshra.s32 s3, $0x1F;
	p3 =	slt.s32 s3, $0x1;
	p0 =	sne.s32 s6, $0x0  }
0x1ea: {  	s6 =	sshrl.u32 s26, $0x1C;
	p0 =	por !p3, !p0  }
0x1eb: {  	s3 =	sadd.s32 s6, s3;
	s6 =	simm.s32 $0x1;
	p0 =	por !p0, !p0  }
0x1ec: {  	s3 =	sshra.s32 s3, $0x4;
	s6 =	simm.s32 @!p0 $0x0  }
0x1ed: {  	s3 =	ssub.s32 s3, s6  }
0x1ee: {  	p0 =	slt.s32 s3, $0x1  }
.Ltmp26:
0x1ef: {  	_ = 	snop;
	(pc) =	sbr.rel @p0 .LBB2_50-.Ltmp26, $1  }
0x1f0: {  	_ =	sdelay $0x3  }
0x1f1: {  	s6 =	simm.s32 $0xFFFFFFFF  }
0x1f2: {  	s6 =	simm.s32 @!p2 $0x0;
	p2 =	sne.s32 s3, $0x1  }
.Ltmp27:
0x1f3: {  	_ = 	snop;
	(pc) =	sbr.rel @!p2 .LBB2_45-.Ltmp27, $4  }
0x1f4: {  	_ = 	snop  }
0x1f5: {  	s8 =	sshll.u32 s8, $0x7;
	s9 =	simm.s32 $0x3000;
	s6 =	sshll.u32 s6, $0x7  }
0x1f6: {  	s10 =	simm.s32 $0x0;
	p0 =	por $0x0, $0x0;
	s11 =	sadd.s32 s6, s8  }
0x1f7: {  	s3 =	sadd.s32 $0xFFFFFFFF, s3;
	s8 =	simm.s32 $0x4B00;
	s13 =	sadd.s32 $0x0, s11  }
0x1f8: {  	s6 =	sand.u32 $0xFFFFFF80, s13;
	s10 =	sand.u32 $0x70, s10  }
0x1f9: {  	s14 =	sor.u32 s10, s6  }
0x1fa: {  	v3 =	vld [tilespmem:s14+$0x3D80];
	_ =	sdelay $0x3  }
0x1fb: {  	p2 =	sne.s32 s3, $0x1  }
.Ltmp28:
0x1fc: {  	[tilespmem:s9+$0x0] =	vst v3;
	(pc) =	sbr.rel @!p2 .LBB2_47-.Ltmp28, $3  }
0x1fd: {  	v3 =	vld [tilespmem:s14+$0x5880];
	_ =	sdelay $0x1  }
0x1fe: {  	s13 =	sadd.s32 $0x10, s11;
	p0 =	por $0x1, $0x1;
	s10 =	simm.s32 $0x10  }
0x1ff: {  	s6 =	sadd.s32 $0xFFFFFFFF, s3;
	s3 =	simm.s32 $0x3000;
	s14 =	simm.s32 $0x4B00  }
.LBB2_48:
0x200: {  	p2 =	sne.s32 s6, $0x1;
	s13 =	sand.u32 $0xFFFFFF80, s13;
	s25 =	sand.u32 $0x70, s10  }
0x201: {  	s13 =	sor.u32 s25, s13;
	[tilespmem:s14+$0x0] =	vst v3  }
0x202: {  	v3 =	vld [tilespmem:s13+$0x3D80];
	_ =	sdelay $0x3  }
0x203: {  	s3 =	sadd.s32 $0x10, s3  }
.Ltmp29:
0x204: {  	[tilespmem:s3+$0x0] =	vst v3;
	(pc) =	sbr.rel @p2 .LBB2_48-.Ltmp29, $3  }
0x205: {  	v3 =	vld [tilespmem:s13+$0x5880];
	_ =	sdelay $0x1  }
0x206: {  	s10 =	sadd.s32 $0x10, s10  }
0x207: {  	s6 =	sadd.s32 $0xFFFFFFFF, s6;
	s14 =	sadd.s32 $0x10, s14;
	s13 =	sadd.s32 s10, s11  }
.Ltmp30:
0x208: {  	_ = 	snop;
	(pc) =	sbr.rel .LBB2_49-.Ltmp30, $1  }
0x209: {  	_ =	sdelay $0x3  }
.LBB2_18:
.Ltmp31:
0x20a: {  	(pc) =	sbr.rel .LBB2_33-.Ltmp31, $2  }
0x20b: {  	_ =	sdelay $0x2  }
0x20c: {  	s26 =	simm.s32 $0x5880;
	s3 =	simm.s32 $0x3D80  }
.LBB2_31:
.Ltmp32:
0x20d: {  	(pc) =	sbr.rel .LBB2_33-.Ltmp32, $2  }
0x20e: {  	_ =	sdelay $0x2  }
0x20f: {  	s26 =	simm.s32 $0x5880;
	s3 =	simm.s32 $0x3D80  }
.LBB2_47:
.Ltmp33:
0x210: {  	(pc) =	sbr.rel .LBB2_49-.Ltmp33, $2  }
0x211: {  	_ =	sdelay $0x2  }
0x212: {  	s14 =	simm.s32 $0x4B00;
	s3 =	simm.s32 $0x3000  }
.LBB2_19:
0x213: {  	[tilespmem:s0+$0x3000] =	vst v1  }
0x214: {  	[tilespmem:s0+$0x4B00] =	vst v0  }
0x215: {  	[tilespmem:s0+$0x3010] =	vst v1  }
0x216: {  	[tilespmem:s0+$0x4B10] =	vst v0;
	s3 =	sadd.s32 $0x7F, s0  }
0x217: {  	[tilespmem:s0+$0x3020] =	vst v1;
	s6 =	sand.u32 $0x7F, s3  }
0x218: {  	[tilespmem:s0+$0x4B20] =	vst v0;
	s30 =	sshra.s32 s3, $0x1F;
	p2 =	slt.s32 s3, $0x1;
	p0 =	sne.s32 s6, $0x0  }
0x219: {  	[tilespmem:s0+$0x3030] =	vst v1;
	s6 =	sshrl.u32 s30, $0x19;
	p0 =	por !p2, !p0  }
0x21a: {  	[tilespmem:s0+$0x4B30] =	vst v0;
	s3 =	sadd.s32 s6, s3;
	s6 =	simm.s32 $0x1;
	p0 =	por !p0, !p0  }
0x21b: {  	[tilespmem:s0+$0x3040] =	vst v1;
	s3 =	sshra.s32 s3, $0x7;
	s6 =	simm.s32 @!p0 $0x0  }
0x21c: {  	[tilespmem:s0+$0x4B40] =	vst v0;
	s6 =	ssub.s32 s3, s6  }
0x21d: {  	[tilespmem:s0+$0x3050] =	vst v1;
	p0 =	sgt.s32 s6, $0x0  }
.Ltmp34:
0x21e: {  	[tilespmem:s0+$0x4B50] =	vst v0;
	(pc) =	sbr.rel @!p0 .LBB2_23-.Ltmp34, $4  }
0x21f: {  	[tilespmem:s0+$0x3060] =	vst v1  }
0x220: {  	[tilespmem:s0+$0x4B60] =	vst v0  }
0x221: {  	[tilespmem:s0+$0x3070] =	vst v1  }
0x222: {  	[tilespmem:s0+$0x4B70] =	vst v0  }
0x223: {  	p0 =	seq.s32 s6, $0x1  }
.Ltmp35:
0x224: {  	_ = 	snop;
	(pc) =	sbr.rel @p0 .LBB2_22-.Ltmp35, $4  }
0x225: {  	s0 =	simm.s32 $0x4B00;
	s3 =	simm.s32 $0x3000  }
0x226: {  	[spmem:s2] =	stream.indirect.scatter.add.f32 [tilespmem:s0], [sflag:$0x5], $0x1, s3, s21, $0xb8;
	[tilespmem:$0x1FC00] =	vst v63  }
0x227: {  	_ =	swait.ge [sflag:s19], $0x80  }
0x228: {  	s6 =	sadd.s32 $0xFFFFFFFF, s6;
	[sflag:s19] =	ssyncset.done $0x0  }
.LBB2_21:
0x229: {  	[sflag:s19] =	ssyncadd.s32 $0xFFFFFF80  }
0x22a: {  	s0 =	sadd.s32 $0x80, s0;
	s3 =	sadd.s32 $0x80, s3;
	p0 =	seq.s32 s6, $0x1  }
.Ltmp36:
0x22b: {  	s6 =	sadd.s32 $0xFFFFFFFF, s6;
	(pc) =	sbr.rel @!p0 .LBB2_21-.Ltmp36, $4  }
0x22c: {  	_ = 	snop  }
0x22d: {  	[spmem:s2] =	stream.indirect.scatter.add.f32 [tilespmem:s0], [sflag:$0x5], $0x1, s3, s21, $0xb8;
	[tilespmem:$0x1FC00] =	vst v63  }
0x22e: {  	_ =	swait.ge [sflag:s19], $0x80  }
0x22f: {  	[sflag:s19] =	ssyncset.done $0x0  }
.LBB2_22:
0x230: {  	[sflag:s19] =	ssyncadd.s32 $0xFFFFFF80  }
.LBB2_23:
.Ltmp37:
0x231: {  	(pc) =	sbr.rel @!p1 .LBB2_27-.Ltmp37, $2  }
0x232: {  	_ =	sdelay $0x2  }
0x233: {  	s0 =	simm.s32 $0x0  }
0x234: {  	s0 =	sadd.s32 $0x1, s0  }
0x235: {  	p0 =	slt.s32 s0, s31  }
.Ltmp38:
0x236: {  	_ = 	snop;
	(pc) =	sbr.rel @!p0 .LBB2_26-.Ltmp38, $3  }
0x237: {  	_ =	sdelay $0x1  }
0x238: {  	_ =	swait.ge [sflag:s22], $0x80  }
0x239: {  	[sflag:s22] =	ssyncset.done $0x0  }
.LBB2_25:
0x23a: {  	s0 =	sadd.s32 $0x1, s0  }
0x23b: {  	[sflag:s22] =	ssyncadd.s32 $0xFFFFFF80;
	p0 =	slt.s32 s0, s31  }
.Ltmp39:
0x23c: {  	(pc) =	sbr.rel @p0 .LBB2_25-.Ltmp39, $3  }
0x23d: {  	_ =	sdelay $0x1  }
0x23e: {  	_ =	swait.ge [sflag:s22], $0x80  }
0x23f: {  	[sflag:s22] =	ssyncset.done $0x0  }
.Ltmp40:
0x240: {  	_ = 	snop;
	(pc) =	sbr.rel .LBB2_26-.Ltmp40, $1  }
0x241: {  	_ =	sdelay $0x3  }
.LBB2_29:
0x242: {  	_ =	sfence.sel $0x180000  }
0x243: {  	[bflag:$0x0] =	sbarrier.arrive $0xFFFF  }
0x244: {  	_ =	strace $0x90000047  }
0x245: {  	s0 =	stileid.u32;
	[bflag:$0x2] =	sbarrier.arrive $0xFFFF  }
0x246: {  	p0 =	sne.s32 s0, $0x0;
	s0 =	rddreg [dreg:$0x3]  }
0x247: {  	s0 =	sadd.s32 @!p0 $0x100000, s0  }
0x248: {  	[sflag:s0] =	ssyncadd.tile.s32 @!p0 $0x1;
	_ =	shalt  }
.Lfunc_end2:
_tile_overlayer_lowered:
.L_overlay_start_2:
0x249: {  	(tag) =	ssettag $0x2  }
0x24a: {  	s0 =	rddreg [dreg:$0x0];
	s2 =	stileid.u32  }
0x24b: {  	s1 =	rddreg [dreg:$0x1];
	p0 =	sne.s32 s2, $0x0  }
0x24c: {  	s3 =	rddreg [dreg:$0x2];
	[bflag:$0x3] =	sbarrier.arrive $0xFFFF;
	s2 =	simm.s32 @!p0 $0x1C05  }
0x24d: {  	[timem:s3], [sflag:s2] =	dma.local @!p0 [hbm:s0], s1  }
0x24e: {  	s0 =	simm.s32 @!p0 $0x5  }
0x24f: {  	_ =	swait.ge @!p0 [sflag:s0], s1  }
0x250: {  	s1 =	ssub.s32 @!p0 $0x0, s1;
	[sflag:s0] =	ssyncset.done @!p0 $0x0  }
0x251: {  	[sflag:s0] =	ssyncadd.s32 @!p0 s1  }
0x252: {  	[bflag:$0x3] =	sbarrier.arrive $0xFFFF  }
0x253: {  	_ =	shalt  }

</sc_bundles>
